<compile_context>
chip_gen: v7x
topology: tpu7x:2x2x1
jax: 0.10.2.dev20260603
libtpu: 0.0.44.dev20260713+nightly
codegen_flags: <defaults>
</compile_context>

<pallas_src>
import functools

import jax
import jax.numpy as jnp
from jax import lax
from jax.experimental import pallas as pl
from jax.experimental.pallas import tpu as pltpu
from jax.experimental.pallas import tpu_sc as plsc

_CHUNK = 128


def _sc_gather(users_r, items_r, user_emb, item_emb, ulin_flat, ilin_flat,
               nw, ch, d):
    nc = plsc.get_sparse_core_info().num_cores

    @functools.partial(
        pl.kernel,
        mesh=plsc.VectorSubcoreMesh(core_axis_name="c", subcore_axis_name="s"),
        compiler_params=pltpu.CompilerParams(use_tc_tiling_on_sc=False),
        out_type=[
            jax.ShapeDtypeStruct((nw * ch * _CHUNK, d), jnp.float32),
            jax.ShapeDtypeStruct((nw * ch * _CHUNK, d), jnp.float32),
            jax.ShapeDtypeStruct((nw * ch, _CHUNK), jnp.float32),
            jax.ShapeDtypeStruct((nw * ch, _CHUNK), jnp.float32),
        ],
        scratch_types=[
            pltpu.VMEM((ch, _CHUNK), jnp.int32),
            pltpu.VMEM((ch, _CHUNK), jnp.int32),
            pltpu.VMEM((ch, _CHUNK, 16), jnp.float32),
            pltpu.VMEM((ch, _CHUNK, 16), jnp.float32),
            pltpu.VMEM((ch, _CHUNK), jnp.float32),
            pltpu.VMEM((ch, _CHUNK), jnp.float32),
            pltpu.SemaphoreType.DMA,
        ],
    )
    def k(users_h, items_h, uemb_h, iemb_h, ulin_h, ilin_h,
          uout_h, iout_h, ulout_h, ilout_h,
          uidx, iidx, urows, irows, ulv, ilv, sem):
        wid = lax.axis_index("s") * nc + lax.axis_index("c")
        r0 = wid * ch
        pltpu.sync_copy(users_h.at[pl.ds(r0, ch)], uidx)
        pltpu.sync_copy(items_h.at[pl.ds(r0, ch)], iidx)
        cps = []
        for c in range(ch):
            cps.append(pltpu.async_copy(uemb_h.at[uidx.at[c]], urows.at[c], sem))
            cps.append(pltpu.async_copy(iemb_h.at[iidx.at[c]], irows.at[c], sem))
            cps.append(pltpu.async_copy(ulin_h.at[uidx.at[c]], ulv.at[c], sem))
            cps.append(pltpu.async_copy(ilin_h.at[iidx.at[c]], ilv.at[c], sem))
        for cp in cps:
            cp.wait()
        for c in range(ch):
            dst = pl.ds((r0 + c) * _CHUNK, _CHUNK)
            pltpu.sync_copy(urows.at[c], uout_h.at[dst])
            pltpu.sync_copy(irows.at[c], iout_h.at[dst])
        pltpu.sync_copy(ulv, ulout_h.at[pl.ds(r0, ch)])
        pltpu.sync_copy(ilv, ilout_h.at[pl.ds(r0, ch)])

    return k(users_r, items_r, user_emb, item_emb, ulin_flat, ilin_flat)


def _tc_body(u_ref, i_ref, ul_ref, il_ref, w0_ref, w1_ref, w2_ref,
             b0_ref, b1_ref, cb_ref, o_ref, *, d):
    u = u_ref[...]
    it = i_ref[...]
    s = jnp.sum(u, axis=1, keepdims=True) + jnp.sum(it, axis=1, keepdims=True)
    sq = jnp.sum(u * u, axis=1, keepdims=True) + jnp.sum(it * it, axis=1, keepdims=True)
    fm = 0.5 * (s * s - sq)
    w0 = w0_ref[...]
    h = (jnp.dot(u, w0[:d, :], preferred_element_type=jnp.float32)
         + jnp.dot(it, w0[d:, :], preferred_element_type=jnp.float32)
         + b0_ref[...])
    h = jnp.maximum(h, 0.0)
    h = jnp.maximum(
        jnp.dot(h, w1_ref[...], preferred_element_type=jnp.float32) + b1_ref[...],
        0.0)
    y = jnp.sum(h * w2_ref[...], axis=1, keepdims=True)
    o_ref[...] = ul_ref[...] + il_ref[...] + fm + y + cb_ref[...]


def _tc_mlp(u_e, i_e, ul, il, w0, b0r, w1, b1r, w2r, cb):
    b, d = u_e.shape
    bm = 2048
    grid = b // bm
    h0 = w0.shape[1]
    h1 = w1.shape[1]
    return pl.pallas_call(
        functools.partial(_tc_body, d=d),
        grid=(grid,),
        in_specs=[
            pl.BlockSpec((bm, d), lambda m: (m, 0)),
            pl.BlockSpec((bm, d), lambda m: (m, 0)),
            pl.BlockSpec((bm, 1), lambda m: (m, 0)),
            pl.BlockSpec((bm, 1), lambda m: (m, 0)),
            pl.BlockSpec((2 * d, h0), lambda m: (0, 0)),
            pl.BlockSpec((h0, h1), lambda m: (0, 0)),
            pl.BlockSpec((1, h1), lambda m: (0, 0)),
            pl.BlockSpec((1, h0), lambda m: (0, 0)),
            pl.BlockSpec((1, h1), lambda m: (0, 0)),
            pl.BlockSpec((1, 1), lambda m: (0, 0)),
        ],
        out_specs=pl.BlockSpec((bm, 1), lambda m: (m, 0)),
        out_shape=jax.ShapeDtypeStruct((b, 1), jnp.float32),
    )(u_e, i_e, ul, il, w0, w1, w2r, b0r, b1r, cb)


@jax.jit
def kernel(users, items, user_emb, item_emb, user_lin_w, user_lin_b,
           item_lin_w, item_lin_b, W0, b0, W1, b1, W2, b2):
    b = users.shape[0]
    d = user_emb.shape[1]
    nw = 32
    ch = b // (nw * _CHUNK)
    users_r = users.astype(jnp.int32).reshape(nw * ch, _CHUNK)
    items_r = items.astype(jnp.int32).reshape(nw * ch, _CHUNK)
    u_e, i_e, u_lin, i_lin = _sc_gather(
        users_r, items_r, user_emb, item_emb,
        user_lin_w.reshape(-1), item_lin_w.reshape(-1), nw, ch, d)
    ul = u_lin.reshape(b, 1)
    il = i_lin.reshape(b, 1)
    cb = (user_lin_b[0] + item_lin_b[0] + b2[0]).reshape(1, 1)
    return _tc_mlp(u_e, i_e, ul, il, W0, b0.reshape(1, -1), W1,
                   b1.reshape(1, -1), W2.reshape(1, -1), cb)

# --- scband reference (transcript-rebuilt; emitter-appended) ---
"""Pipeline reference for scband-deep-fm-70463233458629 (READ-ONLY COPY).

The authoritative reference and input builder live on the scoring server;
editing this copy changes nothing except your own understanding.
"""

import jax, jax.numpy as jnp
import numpy as np

NUM_USERS = 1000000
NUM_ITEMS = 1000000
EMBED_DIM = 16
MLP_DIMS = (64, 32)
BATCH = 16384


def setup_inputs(seed: int = 0) -> dict:
    key = jax.random.key(seed)
    ks = jax.random.split(key, 12)
    inp = {}
    inp["users"] = jax.random.randint(ks[0], (BATCH,), 0, NUM_USERS)
    inp["items"] = jax.random.randint(ks[1], (BATCH,), 0, NUM_ITEMS)
    inp["user_emb"] = jax.random.normal(ks[2], (NUM_USERS, EMBED_DIM), jnp.float32) * 0.01
    inp["item_emb"] = jax.random.normal(ks[3], (NUM_ITEMS, EMBED_DIM), jnp.float32) * 0.01
    inp["user_lin_w"] = jax.random.normal(ks[4], (NUM_USERS, 1), jnp.float32) * 0.01
    inp["user_lin_b"] = jnp.zeros((1,), jnp.float32)
    inp["item_lin_w"] = jax.random.normal(ks[5], (NUM_ITEMS, 1), jnp.float32) * 0.01
    inp["item_lin_b"] = jnp.zeros((1,), jnp.float32)
    dims = [2 * EMBED_DIM] + list(MLP_DIMS) + [1]
    for i in range(len(dims) - 1):
        inp[f"W{i}"] = jax.random.normal(ks[6 + i], (dims[i], dims[i + 1]), jnp.float32) * (1.0 / np.sqrt(dims[i]))
        inp[f"b{i}"] = jnp.zeros((dims[i + 1],), jnp.float32)
    return inp


def reference(users, items, user_emb, item_emb, user_lin_w, user_lin_b, item_lin_w, item_lin_b, W0, b0, W1, b1, W2, b2):
    # FeaturesSparseEmbedding / FeaturesEmbedding: plain table gathers
    user_embed = jnp.take(user_emb, users, axis=0)            # [B, d]  (.squeeze() is no-op for [B, d])
    item_embed = jnp.take(item_emb, items, axis=0)            # [B, d]
    # Linear (first-order) terms
    user_linear = jnp.take(user_lin_w, users, axis=0) + user_lin_b   # [B, 1]
    item_linear = (jnp.squeeze(jnp.take(item_lin_w, items, axis=0), -1) + item_lin_b)[:, None]  # [B, 1]
    # item_embed.ndim == 2 -> skip the candidate-list broadcast branch
    x_embed = jnp.concatenate([user_embed, item_embed], axis=-1)     # [B, 2d]
    # FactorizationMachine(reduce_sum=False): 0.5*((sum x)^2 - sum x^2) over feature dim
    square_of_sum = jnp.sum(x_embed, axis=-1) ** 2
    sum_of_square = jnp.sum(x_embed ** 2, axis=-1)
    x_fm = (0.5 * (square_of_sum - sum_of_square))[:, None]          # [B, 1]
    # MultiLayerPerceptron (dropout is identity in eval mode)
    h = jax.nn.relu(x_embed @ W0 + b0)
    h = jax.nn.relu(h @ W1 + b1)
    x_mlp = h @ W2 + b2                                              # [B, 1]
    output = user_linear + item_linear + x_fm + x_mlp
    # use_logit=False -> no sigmoid
    return output

if __name__ == "__main__":
    import jax
    _d = setup_inputs()
    print(jax.jit(kernel)(*tuple(_d.values())))

</pallas_src>

<mosaic_0001>
#map = affine_map<(d0, d1) -> (0, 0)>
#map1 = affine_map<(d0, d1) -> (0)>
module attributes {stable_mosaic.version = 14 : i64} {
  func.func @k(%arg0: i32, %arg1: i32, %arg2: memref<128x128xi32, #tpu.memory_space<hbm>>, %arg3: memref<128x128xi32, #tpu.memory_space<hbm>>, %arg4: memref<1000000x16xf32, #tpu.memory_space<hbm>>, %arg5: memref<1000000x16xf32, #tpu.memory_space<hbm>>, %arg6: memref<1000000xf32, #tpu.memory_space<hbm>>, %arg7: memref<1000000xf32, #tpu.memory_space<hbm>>, %arg8: memref<16384x16xf32, #tpu.memory_space<hbm>>, %arg9: memref<16384x16xf32, #tpu.memory_space<hbm>>, %arg10: memref<128x128xf32, #tpu.memory_space<hbm>>, %arg11: memref<128x128xf32, #tpu.memory_space<hbm>>, %arg12: memref<4x128xi32, #tpu.memory_space<vmem>>, %arg13: memref<4x128xi32, #tpu.memory_space<vmem>>, %arg14: memref<4x128x16xf32, #tpu.memory_space<vmem>>, %arg15: memref<4x128x16xf32, #tpu.memory_space<vmem>>, %arg16: memref<4x128xf32, #tpu.memory_space<vmem>>, %arg17: memref<4x128xf32, #tpu.memory_space<vmem>>, %arg18: memref<!tpu.dma_semaphore, #tpu.memory_space<semaphore_mem>>) attributes {dimension_semantics = [#tpu.dimension_semantics<core_parallel>, #tpu.dimension_semantics<subcore_parallel>], iteration_bounds = array<i64: 2, 16>, scalar_prefetch = 0 : i64, scratch_operands = 7 : i64, tpu.core_type = #tpu.core_type<sc_vector_subcore>, window_params = [{transform_indices = #map}, {transform_indices = #map}, {transform_indices = #map}, {transform_indices = #map}, {transform_indices = #map1}, {transform_indices = #map1}, {transform_indices = #map}, {transform_indices = #map}, {transform_indices = #map}, {transform_indices = #map}]} {
    %mul3A = arith.constant 2 : i32
    %mul3A_0 = arith.muli %arg1, %mul3A : i32
    %add3A = arith.addi %mul3A_0, %arg0 : i32
    %mul3A_1 = arith.constant 4 : i32
    %mul3A_2 = arith.muli %add3A, %mul3A_1 : i32
    "tpu.region"() ({
      %run_scoped3A_376 = tpu.sem_alloc : memref<!tpu.dma_semaphore, #tpu.memory_space<semaphore_mem>>
      %dma_start3A_377 = arith.constant 0 : i32
      %dma_start3A_378 = tpu.memref_slice %arg2[%mul3A_2, %dma_start3A_377] : memref<128x128xi32, #tpu.memory_space<hbm>> -> memref<4x128xi32, #tpu.memory_space<hbm>>
      %dma_start3A_379 = arith.constant 0 : i32
      %dma_start3A_380 = tpu.memref_slice %arg2[%mul3A_2, %dma_start3A_379] : memref<128x128xi32, #tpu.memory_space<hbm>> -> memref<4x128xi32, #tpu.memory_space<hbm>>
      tpu.enqueue_dma source(%dma_start3A_380 : memref<4x128xi32, #tpu.memory_space<hbm>>) target(%arg12 : memref<4x128xi32, #tpu.memory_space<vmem>>) target_semaphore(%run_scoped3A_376 : memref<!tpu.dma_semaphore, #tpu.memory_space<semaphore_mem>>)
      %dma_wait3A_381 = arith.constant 0 : i32
      %dma_wait3A_382 = tpu.memref_slice %arg2[%mul3A_2, %dma_wait3A_381] : memref<128x128xi32, #tpu.memory_space<hbm>> -> memref<4x128xi32, #tpu.memory_space<hbm>>
      %dma_wait3A_383 = arith.constant 0 : i32
      %dma_wait3A_384 = tpu.memref_slice %arg2[%mul3A_2, %dma_wait3A_383] : memref<128x128xi32, #tpu.memory_space<hbm>> -> memref<4x128xi32, #tpu.memory_space<hbm>>
      tpu.wait_dma2 semaphore(%run_scoped3A_376 : memref<!tpu.dma_semaphore, #tpu.memory_space<semaphore_mem>>) src(%dma_wait3A_384 : memref<4x128xi32, #tpu.memory_space<hbm>>) dst(%arg12 : memref<4x128xi32, #tpu.memory_space<vmem>>)
      tpu.yield
    }) : () -> ()
    "tpu.region"() ({
      %run_scoped3A_376 = tpu.sem_alloc : memref<!tpu.dma_semaphore, #tpu.memory_space<semaphore_mem>>
      %dma_start3A_377 = arith.constant 0 : i32
      %dma_start3A_378 = tpu.memref_slice %arg3[%mul3A_2, %dma_start3A_377] : memref<128x128xi32, #tpu.memory_space<hbm>> -> memref<4x128xi32, #tpu.memory_space<hbm>>
      %dma_start3A_379 = arith.constant 0 : i32
      %dma_start3A_380 = tpu.memref_slice %arg3[%mul3A_2, %dma_start3A_379] : memref<128x128xi32, #tpu.memory_space<hbm>> -> memref<4x128xi32, #tpu.memory_space<hbm>>
      tpu.enqueue_dma source(%dma_start3A_380 : memref<4x128xi32, #tpu.memory_space<hbm>>) target(%arg13 : memref<4x128xi32, #tpu.memory_space<vmem>>) target_semaphore(%run_scoped3A_376 : memref<!tpu.dma_semaphore, #tpu.memory_space<semaphore_mem>>)
      %dma_wait3A_381 = arith.constant 0 : i32
      %dma_wait3A_382 = tpu.memref_slice %arg3[%mul3A_2, %dma_wait3A_381] : memref<128x128xi32, #tpu.memory_space<hbm>> -> memref<4x128xi32, #tpu.memory_space<hbm>>
      %dma_wait3A_383 = arith.constant 0 : i32
      %dma_wait3A_384 = tpu.memref_slice %arg3[%mul3A_2, %dma_wait3A_383] : memref<128x128xi32, #tpu.memory_space<hbm>> -> memref<4x128xi32, #tpu.memory_space<hbm>>
      tpu.wait_dma2 semaphore(%run_scoped3A_376 : memref<!tpu.dma_semaphore, #tpu.memory_space<semaphore_mem>>) src(%dma_wait3A_384 : memref<4x128xi32, #tpu.memory_space<hbm>>) dst(%arg13 : memref<4x128xi32, #tpu.memory_space<vmem>>)
      tpu.yield
    }) : () -> ()
    %dma_start3A = arith.constant 0 : i32
    %dma_start3A_3 = arith.constant 0 : i32
    %dma_start3A_4 = arith.constant 0 : i32
    %dma_start3A_5 = arith.constant 0 : i32
    %dma_start3A_6 = tpu.memref_slice %arg14[%dma_start3A_3, %dma_start3A_4, %dma_start3A_5] : memref<4x128x16xf32, #tpu.memory_space<vmem>> -> memref<1x128x16xf32, #tpu.memory_space<vmem>>
    %dma_start3A_7 = tpu.memref_squeeze %dma_start3A_6 : memref<1x128x16xf32, #tpu.memory_space<vmem>> -> memref<128x16xf32, #tpu.memory_space<vmem>>
    %dma_start3A_8 = arith.constant 0 : i32
    %dma_start3A_9 = tpu.memref_slice %arg12[%dma_start3A, %dma_start3A_8] : memref<4x128xi32, #tpu.memory_space<vmem>> -> memref<1x128xi32, #tpu.memory_space<vmem>>
    %dma_start3A_10 = tpu.memref_squeeze %dma_start3A_9 : memref<1x128xi32, #tpu.memory_space<vmem>> -> memref<128xi32, #tpu.memory_space<vmem>>
    %dma_start3A_11 = arith.constant 0 : i32
    %dma_start3A_12 = arith.constant 0 : i32
    %dma_start3A_13 = tpu.memref_slice %arg4[%dma_start3A_11, %dma_start3A_12] : memref<1000000x16xf32, #tpu.memory_space<hbm>> -> memref<1000000x16xf32, #tpu.memory_space<hbm>>
    tpu.enqueue_indirect_dma source(%dma_start3A_13 : memref<1000000x16xf32, #tpu.memory_space<hbm>>) target(%dma_start3A_7 : memref<128x16xf32, #tpu.memory_space<vmem>>) offsets(%dma_start3A_10 : memref<128xi32, #tpu.memory_space<vmem>>) semaphore(%arg18 : memref<!tpu.dma_semaphore, #tpu.memory_space<semaphore_mem>>)
    %dma_start3A_14 = arith.constant 0 : i32
    %dma_start3A_15 = arith.constant 0 : i32
    %dma_start3A_16 = arith.constant 0 : i32
    %dma_start3A_17 = arith.constant 0 : i32
    %dma_start3A_18 = tpu.memref_slice %arg15[%dma_start3A_15, %dma_start3A_16, %dma_start3A_17] : memref<4x128x16xf32, #tpu.memory_space<vmem>> -> memref<1x128x16xf32, #tpu.memory_space<vmem>>
    %dma_start3A_19 = tpu.memref_squeeze %dma_start3A_18 : memref<1x128x16xf32, #tpu.memory_space<vmem>> -> memref<128x16xf32, #tpu.memory_space<vmem>>
    %dma_start3A_20 = arith.constant 0 : i32
    %dma_start3A_21 = tpu.memref_slice %arg13[%dma_start3A_14, %dma_start3A_20] : memref<4x128xi32, #tpu.memory_space<vmem>> -> memref<1x128xi32, #tpu.memory_space<vmem>>
    %dma_start3A_22 = tpu.memref_squeeze %dma_start3A_21 : memref<1x128xi32, #tpu.memory_space<vmem>> -> memref<128xi32, #tpu.memory_space<vmem>>
    %dma_start3A_23 = arith.constant 0 : i32
    %dma_start3A_24 = arith.constant 0 : i32
    %dma_start3A_25 = tpu.memref_slice %arg5[%dma_start3A_23, %dma_start3A_24] : memref<1000000x16xf32, #tpu.memory_space<hbm>> -> memref<1000000x16xf32, #tpu.memory_space<hbm>>
    tpu.enqueue_indirect_dma source(%dma_start3A_25 : memref<1000000x16xf32, #tpu.memory_space<hbm>>) target(%dma_start3A_19 : memref<128x16xf32, #tpu.memory_space<vmem>>) offsets(%dma_start3A_22 : memref<128xi32, #tpu.memory_space<vmem>>) semaphore(%arg18 : memref<!tpu.dma_semaphore, #tpu.memory_space<semaphore_mem>>)
    %dma_start3A_26 = arith.constant 0 : i32
    %dma_start3A_27 = arith.constant 0 : i32
    %dma_start3A_28 = arith.constant 0 : i32
    %dma_start3A_29 = tpu.memref_slice %arg16[%dma_start3A_27, %dma_start3A_28] : memref<4x128xf32, #tpu.memory_space<vmem>> -> memref<1x128xf32, #tpu.memory_space<vmem>>
    %dma_start3A_30 = tpu.memref_squeeze %dma_start3A_29 : memref<1x128xf32, #tpu.memory_space<vmem>> -> memref<128xf32, #tpu.memory_space<vmem>>
    %dma_start3A_31 = arith.constant 0 : i32
    %dma_start3A_32 = tpu.memref_slice %arg12[%dma_start3A_26, %dma_start3A_31] : memref<4x128xi32, #tpu.memory_space<vmem>> -> memref<1x128xi32, #tpu.memory_space<vmem>>
    %dma_start3A_33 = tpu.memref_squeeze %dma_start3A_32 : memref<1x128xi32, #tpu.memory_space<vmem>> -> memref<128xi32, #tpu.memory_space<vmem>>
    %dma_start3A_34 = arith.constant 0 : i32
    %dma_start3A_35 = tpu.memref_slice %arg6[%dma_start3A_34] : memref<1000000xf32, #tpu.memory_space<hbm>> -> memref<1000000xf32, #tpu.memory_space<hbm>>
    tpu.enqueue_indirect_dma source(%dma_start3A_35 : memref<1000000xf32, #tpu.memory_space<hbm>>) target(%dma_start3A_30 : memref<128xf32, #tpu.memory_space<vmem>>) offsets(%dma_start3A_33 : memref<128xi32, #tpu.memory_space<vmem>>) semaphore(%arg18 : memref<!tpu.dma_semaphore, #tpu.memory_space<semaphore_mem>>)
    %dma_start3A_36 = arith.constant 0 : i32
    %dma_start3A_37 = arith.constant 0 : i32
    %dma_start3A_38 = arith.constant 0 : i32
    %dma_start3A_39 = tpu.memref_slice %arg17[%dma_start3A_37, %dma_start3A_38] : memref<4x128xf32, #tpu.memory_space<vmem>> -> memref<1x128xf32, #tpu.memory_space<vmem>>
    %dma_start3A_40 = tpu.memref_squeeze %dma_start3A_39 : memref<1x128xf32, #tpu.memory_space<vmem>> -> memref<128xf32, #tpu.memory_space<vmem>>
    %dma_start3A_41 = arith.constant 0 : i32
    %dma_start3A_42 = tpu.memref_slice %arg13[%dma_start3A_36, %dma_start3A_41] : memref<4x128xi32, #tpu.memory_space<vmem>> -> memref<1x128xi32, #tpu.memory_space<vmem>>
    %dma_start3A_43 = tpu.memref_squeeze %dma_start3A_42 : memref<1x128xi32, #tpu.memory_space<vmem>> -> memref<128xi32, #tpu.memory_space<vmem>>
    %dma_start3A_44 = arith.constant 0 : i32
    %dma_start3A_45 = tpu.memref_slice %arg7[%dma_start3A_44] : memref<1000000xf32, #tpu.memory_space<hbm>> -> memref<1000000xf32, #tpu.memory_space<hbm>>
    tpu.enqueue_indirect_dma source(%dma_start3A_45 : memref<1000000xf32, #tpu.memory_space<hbm>>) target(%dma_start3A_40 : memref<128xf32, #tpu.memory_space<vmem>>) offsets(%dma_start3A_43 : memref<128xi32, #tpu.memory_space<vmem>>) semaphore(%arg18 : memref<!tpu.dma_semaphore, #tpu.memory_space<semaphore_mem>>)
    %dma_start3A_46 = arith.constant 1 : i32
    %dma_start3A_47 = arith.constant 1 : i32
    %dma_start3A_48 = arith.constant 0 : i32
    %dma_start3A_49 = arith.constant 0 : i32
    %dma_start3A_50 = tpu.memref_slice %arg14[%dma_start3A_47, %dma_start3A_48, %dma_start3A_49] : memref<4x128x16xf32, #tpu.memory_space<vmem>> -> memref<1x128x16xf32, #tpu.memory_space<vmem>>
    %dma_start3A_51 = tpu.memref_squeeze %dma_start3A_50 : memref<1x128x16xf32, #tpu.memory_space<vmem>> -> memref<128x16xf32, #tpu.memory_space<vmem>>
    %dma_start3A_52 = arith.constant 0 : i32
    %dma_start3A_53 = tpu.memref_slice %arg12[%dma_start3A_46, %dma_start3A_52] : memref<4x128xi32, #tpu.memory_space<vmem>> -> memref<1x128xi32, #tpu.memory_space<vmem>>
    %dma_start3A_54 = tpu.memref_squeeze %dma_start3A_53 : memref<1x128xi32, #tpu.memory_space<vmem>> -> memref<128xi32, #tpu.memory_space<vmem>>
    %dma_start3A_55 = arith.constant 0 : i32
    %dma_start3A_56 = arith.constant 0 : i32
    %dma_start3A_57 = tpu.memref_slice %arg4[%dma_start3A_55, %dma_start3A_56] : memref<1000000x16xf32, #tpu.memory_space<hbm>> -> memref<1000000x16xf32, #tpu.memory_space<hbm>>
    tpu.enqueue_indirect_dma source(%dma_start3A_57 : memref<1000000x16xf32, #tpu.memory_space<hbm>>) target(%dma_start3A_51 : memref<128x16xf32, #tpu.memory_space<vmem>>) offsets(%dma_start3A_54 : memref<128xi32, #tpu.memory_space<vmem>>) semaphore(%arg18 : memref<!tpu.dma_semaphore, #tpu.memory_space<semaphore_mem>>)
    %dma_start3A_58 = arith.constant 1 : i32
    %dma_start3A_59 = arith.constant 1 : i32
    %dma_start3A_60 = arith.constant 0 : i32
    %dma_start3A_61 = arith.constant 0 : i32
    %dma_start3A_62 = tpu.memref_slice %arg15[%dma_start3A_59, %dma_start3A_60, %dma_start3A_61] : memref<4x128x16xf32, #tpu.memory_space<vmem>> -> memref<1x128x16xf32, #tpu.memory_space<vmem>>
    %dma_start3A_63 = tpu.memref_squeeze %dma_start3A_62 : memref<1x128x16xf32, #tpu.memory_space<vmem>> -> memref<128x16xf32, #tpu.memory_space<vmem>>
    %dma_start3A_64 = arith.constant 0 : i32
    %dma_start3A_65 = tpu.memref_slice %arg13[%dma_start3A_58, %dma_start3A_64] : memref<4x128xi32, #tpu.memory_space<vmem>> -> memref<1x128xi32, #tpu.memory_space<vmem>>
    %dma_start3A_66 = tpu.memref_squeeze %dma_start3A_65 : memref<1x128xi32, #tpu.memory_space<vmem>> -> memref<128xi32, #tpu.memory_space<vmem>>
    %dma_start3A_67 = arith.constant 0 : i32
    %dma_start3A_68 = arith.constant 0 : i32
    %dma_start3A_69 = tpu.memref_slice %arg5[%dma_start3A_67, %dma_start3A_68] : memref<1000000x16xf32, #tpu.memory_space<hbm>> -> memref<1000000x16xf32, #tpu.memory_space<hbm>>
    tpu.enqueue_indirect_dma source(%dma_start3A_69 : memref<1000000x16xf32, #tpu.memory_space<hbm>>) target(%dma_start3A_63 : memref<128x16xf32, #tpu.memory_space<vmem>>) offsets(%dma_start3A_66 : memref<128xi32, #tpu.memory_space<vmem>>) semaphore(%arg18 : memref<!tpu.dma_semaphore, #tpu.memory_space<semaphore_mem>>)
    %dma_start3A_70 = arith.constant 1 : i32
    %dma_start3A_71 = arith.constant 1 : i32
    %dma_start3A_72 = arith.constant 0 : i32
    %dma_start3A_73 = tpu.memref_slice %arg16[%dma_start3A_71, %dma_start3A_72] : memref<4x128xf32, #tpu.memory_space<vmem>> -> memref<1x128xf32, #tpu.memory_space<vmem>>
    %dma_start3A_74 = tpu.memref_squeeze %dma_start3A_73 : memref<1x128xf32, #tpu.memory_space<vmem>> -> memref<128xf32, #tpu.memory_space<vmem>>
    %dma_start3A_75 = arith.constant 0 : i32
    %dma_start3A_76 = tpu.memref_slice %arg12[%dma_start3A_70, %dma_start3A_75] : memref<4x128xi32, #tpu.memory_space<vmem>> -> memref<1x128xi32, #tpu.memory_space<vmem>>
    %dma_start3A_77 = tpu.memref_squeeze %dma_start3A_76 : memref<1x128xi32, #tpu.memory_space<vmem>> -> memref<128xi32, #tpu.memory_space<vmem>>
    %dma_start3A_78 = arith.constant 0 : i32
    %dma_start3A_79 = tpu.memref_slice %arg6[%dma_start3A_78] : memref<1000000xf32, #tpu.memory_space<hbm>> -> memref<1000000xf32, #tpu.memory_space<hbm>>
    tpu.enqueue_indirect_dma source(%dma_start3A_79 : memref<1000000xf32, #tpu.memory_space<hbm>>) target(%dma_start3A_74 : memref<128xf32, #tpu.memory_space<vmem>>) offsets(%dma_start3A_77 : memref<128xi32, #tpu.memory_space<vmem>>) semaphore(%arg18 : memref<!tpu.dma_semaphore, #tpu.memory_space<semaphore_mem>>)
    %dma_start3A_80 = arith.constant 1 : i32
    %dma_start3A_81 = arith.constant 1 : i32
    %dma_start3A_82 = arith.constant 0 : i32
    %dma_start3A_83 = tpu.memref_slice %arg17[%dma_start3A_81, %dma_start3A_82] : memref<4x128xf32, #tpu.memory_space<vmem>> -> memref<1x128xf32, #tpu.memory_space<vmem>>
    %dma_start3A_84 = tpu.memref_squeeze %dma_start3A_83 : memref<1x128xf32, #tpu.memory_space<vmem>> -> memref<128xf32, #tpu.memory_space<vmem>>
    %dma_start3A_85 = arith.constant 0 : i32
    %dma_start3A_86 = tpu.memref_slice %arg13[%dma_start3A_80, %dma_start3A_85] : memref<4x128xi32, #tpu.memory_space<vmem>> -> memref<1x128xi32, #tpu.memory_space<vmem>>
    %dma_start3A_87 = tpu.memref_squeeze %dma_start3A_86 : memref<1x128xi32, #tpu.memory_space<vmem>> -> memref<128xi32, #tpu.memory_space<vmem>>
    %dma_start3A_88 = arith.constant 0 : i32
    %dma_start3A_89 = tpu.memref_slice %arg7[%dma_start3A_88] : memref<1000000xf32, #tpu.memory_space<hbm>> -> memref<1000000xf32, #tpu.memory_space<hbm>>
    tpu.enqueue_indirect_dma source(%dma_start3A_89 : memref<1000000xf32, #tpu.memory_space<hbm>>) target(%dma_start3A_84 : memref<128xf32, #tpu.memory_space<vmem>>) offsets(%dma_start3A_87 : memref<128xi32, #tpu.memory_space<vmem>>) semaphore(%arg18 : memref<!tpu.dma_semaphore, #tpu.memory_space<semaphore_mem>>)
    %dma_start3A_90 = arith.constant 2 : i32
    %dma_start3A_91 = arith.constant 2 : i32
    %dma_start3A_92 = arith.constant 0 : i32
    %dma_start3A_93 = arith.constant 0 : i32
    %dma_start3A_94 = tpu.memref_slice %arg14[%dma_start3A_91, %dma_start3A_92, %dma_start3A_93] : memref<4x128x16xf32, #tpu.memory_space<vmem>> -> memref<1x128x16xf32, #tpu.memory_space<vmem>>
    %dma_start3A_95 = tpu.memref_squeeze %dma_start3A_94 : memref<1x128x16xf32, #tpu.memory_space<vmem>> -> memref<128x16xf32, #tpu.memory_space<vmem>>
    %dma_start3A_96 = arith.constant 0 : i32
    %dma_start3A_97 = tpu.memref_slice %arg12[%dma_start3A_90, %dma_start3A_96] : memref<4x128xi32, #tpu.memory_space<vmem>> -> memref<1x128xi32, #tpu.memory_space<vmem>>
    %dma_start3A_98 = tpu.memref_squeeze %dma_start3A_97 : memref<1x128xi32, #tpu.memory_space<vmem>> -> memref<128xi32, #tpu.memory_space<vmem>>
    %dma_start3A_99 = arith.constant 0 : i32
    %dma_start3A_100 = arith.constant 0 : i32
    %dma_start3A_101 = tpu.memref_slice %arg4[%dma_start3A_99, %dma_start3A_100] : memref<1000000x16xf32, #tpu.memory_space<hbm>> -> memref<1000000x16xf32, #tpu.memory_space<hbm>>
    tpu.enqueue_indirect_dma source(%dma_start3A_101 : memref<1000000x16xf32, #tpu.memory_space<hbm>>) target(%dma_start3A_95 : memref<128x16xf32, #tpu.memory_space<vmem>>) offsets(%dma_start3A_98 : memref<128xi32, #tpu.memory_space<vmem>>) semaphore(%arg18 : memref<!tpu.dma_semaphore, #tpu.memory_space<semaphore_mem>>)
    %dma_start3A_102 = arith.constant 2 : i32
    %dma_start3A_103 = arith.constant 2 : i32
    %dma_start3A_104 = arith.constant 0 : i32
    %dma_start3A_105 = arith.constant 0 : i32
    %dma_start3A_106 = tpu.memref_slice %arg15[%dma_start3A_103, %dma_start3A_104, %dma_start3A_105] : memref<4x128x16xf32, #tpu.memory_space<vmem>> -> memref<1x128x16xf32, #tpu.memory_space<vmem>>
    %dma_start3A_107 = tpu.memref_squeeze %dma_start3A_106 : memref<1x128x16xf32, #tpu.memory_space<vmem>> -> memref<128x16xf32, #tpu.memory_space<vmem>>
    %dma_start3A_108 = arith.constant 0 : i32
    %dma_start3A_109 = tpu.memref_slice %arg13[%dma_start3A_102, %dma_start3A_108] : memref<4x128xi32, #tpu.memory_space<vmem>> -> memref<1x128xi32, #tpu.memory_space<vmem>>
    %dma_start3A_110 = tpu.memref_squeeze %dma_start3A_109 : memref<1x128xi32, #tpu.memory_space<vmem>> -> memref<128xi32, #tpu.memory_space<vmem>>
    %dma_start3A_111 = arith.constant 0 : i32
    %dma_start3A_112 = arith.constant 0 : i32
    %dma_start3A_113 = tpu.memref_slice %arg5[%dma_start3A_111, %dma_start3A_112] : memref<1000000x16xf32, #tpu.memory_space<hbm>> -> memref<1000000x16xf32, #tpu.memory_space<hbm>>
    tpu.enqueue_indirect_dma source(%dma_start3A_113 : memref<1000000x16xf32, #tpu.memory_space<hbm>>) target(%dma_start3A_107 : memref<128x16xf32, #tpu.memory_space<vmem>>) offsets(%dma_start3A_110 : memref<128xi32, #tpu.memory_space<vmem>>) semaphore(%arg18 : memref<!tpu.dma_semaphore, #tpu.memory_space<semaphore_mem>>)
    %dma_start3A_114 = arith.constant 2 : i32
    %dma_start3A_115 = arith.constant 2 : i32
    %dma_start3A_116 = arith.constant 0 : i32
    %dma_start3A_117 = tpu.memref_slice %arg16[%dma_start3A_115, %dma_start3A_116] : memref<4x128xf32, #tpu.memory_space<vmem>> -> memref<1x128xf32, #tpu.memory_space<vmem>>
    %dma_start3A_118 = tpu.memref_squeeze %dma_start3A_117 : memref<1x128xf32, #tpu.memory_space<vmem>> -> memref<128xf32, #tpu.memory_space<vmem>>
    %dma_start3A_119 = arith.constant 0 : i32
    %dma_start3A_120 = tpu.memref_slice %arg12[%dma_start3A_114, %dma_start3A_119] : memref<4x128xi32, #tpu.memory_space<vmem>> -> memref<1x128xi32, #tpu.memory_space<vmem>>
    %dma_start3A_121 = tpu.memref_squeeze %dma_start3A_120 : memref<1x128xi32, #tpu.memory_space<vmem>> -> memref<128xi32, #tpu.memory_space<vmem>>
    %dma_start3A_122 = arith.constant 0 : i32
    %dma_start3A_123 = tpu.memref_slice %arg6[%dma_start3A_122] : memref<1000000xf32, #tpu.memory_space<hbm>> -> memref<1000000xf32, #tpu.memory_space<hbm>>
    tpu.enqueue_indirect_dma source(%dma_start3A_123 : memref<1000000xf32, #tpu.memory_space<hbm>>) target(%dma_start3A_118 : memref<128xf32, #tpu.memory_space<vmem>>) offsets(%dma_start3A_121 : memref<128xi32, #tpu.memory_space<vmem>>) semaphore(%arg18 : memref<!tpu.dma_semaphore, #tpu.memory_space<semaphore_mem>>)
    %dma_start3A_124 = arith.constant 2 : i32
    %dma_start3A_125 = arith.constant 2 : i32
    %dma_start3A_126 = arith.constant 0 : i32
    %dma_start3A_127 = tpu.memref_slice %arg17[%dma_start3A_125, %dma_start3A_126] : memref<4x128xf32, #tpu.memory_space<vmem>> -> memref<1x128xf32, #tpu.memory_space<vmem>>
    %dma_start3A_128 = tpu.memref_squeeze %dma_start3A_127 : memref<1x128xf32, #tpu.memory_space<vmem>> -> memref<128xf32, #tpu.memory_space<vmem>>
    %dma_start3A_129 = arith.constant 0 : i32
    %dma_start3A_130 = tpu.memref_slice %arg13[%dma_start3A_124, %dma_start3A_129] : memref<4x128xi32, #tpu.memory_space<vmem>> -> memref<1x128xi32, #tpu.memory_space<vmem>>
    %dma_start3A_131 = tpu.memref_squeeze %dma_start3A_130 : memref<1x128xi32, #tpu.memory_space<vmem>> -> memref<128xi32, #tpu.memory_space<vmem>>
    %dma_start3A_132 = arith.constant 0 : i32
    %dma_start3A_133 = tpu.memref_slice %arg7[%dma_start3A_132] : memref<1000000xf32, #tpu.memory_space<hbm>> -> memref<1000000xf32, #tpu.memory_space<hbm>>
    tpu.enqueue_indirect_dma source(%dma_start3A_133 : memref<1000000xf32, #tpu.memory_space<hbm>>) target(%dma_start3A_128 : memref<128xf32, #tpu.memory_space<vmem>>) offsets(%dma_start3A_131 : memref<128xi32, #tpu.memory_space<vmem>>) semaphore(%arg18 : memref<!tpu.dma_semaphore, #tpu.memory_space<semaphore_mem>>)
    %dma_start3A_134 = arith.constant 3 : i32
    %dma_start3A_135 = arith.constant 3 : i32
    %dma_start3A_136 = arith.constant 0 : i32
    %dma_start3A_137 = arith.constant 0 : i32
    %dma_start3A_138 = tpu.memref_slice %arg14[%dma_start3A_135, %dma_start3A_136, %dma_start3A_137] : memref<4x128x16xf32, #tpu.memory_space<vmem>> -> memref<1x128x16xf32, #tpu.memory_space<vmem>>
    %dma_start3A_139 = tpu.memref_squeeze %dma_start3A_138 : memref<1x128x16xf32, #tpu.memory_space<vmem>> -> memref<128x16xf32, #tpu.memory_space<vmem>>
    %dma_start3A_140 = arith.constant 0 : i32
    %dma_start3A_141 = tpu.memref_slice %arg12[%dma_start3A_134, %dma_start3A_140] : memref<4x128xi32, #tpu.memory_space<vmem>> -> memref<1x128xi32, #tpu.memory_space<vmem>>
    %dma_start3A_142 = tpu.memref_squeeze %dma_start3A_141 : memref<1x128xi32, #tpu.memory_space<vmem>> -> memref<128xi32, #tpu.memory_space<vmem>>
    %dma_start3A_143 = arith.constant 0 : i32
    %dma_start3A_144 = arith.constant 0 : i32
    %dma_start3A_145 = tpu.memref_slice %arg4[%dma_start3A_143, %dma_start3A_144] : memref<1000000x16xf32, #tpu.memory_space<hbm>> -> memref<1000000x16xf32, #tpu.memory_space<hbm>>
    tpu.enqueue_indirect_dma source(%dma_start3A_145 : memref<1000000x16xf32, #tpu.memory_space<hbm>>) target(%dma_start3A_139 : memref<128x16xf32, #tpu.memory_space<vmem>>) offsets(%dma_start3A_142 : memref<128xi32, #tpu.memory_space<vmem>>) semaphore(%arg18 : memref<!tpu.dma_semaphore, #tpu.memory_space<semaphore_mem>>)
    %dma_start3A_146 = arith.constant 3 : i32
    %dma_start3A_147 = arith.constant 3 : i32
    %dma_start3A_148 = arith.constant 0 : i32
    %dma_start3A_149 = arith.constant 0 : i32
    %dma_start3A_150 = tpu.memref_slice %arg15[%dma_start3A_147, %dma_start3A_148, %dma_start3A_149] : memref<4x128x16xf32, #tpu.memory_space<vmem>> -> memref<1x128x16xf32, #tpu.memory_space<vmem>>
    %dma_start3A_151 = tpu.memref_squeeze %dma_start3A_150 : memref<1x128x16xf32, #tpu.memory_space<vmem>> -> memref<128x16xf32, #tpu.memory_space<vmem>>
    %dma_start3A_152 = arith.constant 0 : i32
    %dma_start3A_153 = tpu.memref_slice %arg13[%dma_start3A_146, %dma_start3A_152] : memref<4x128xi32, #tpu.memory_space<vmem>> -> memref<1x128xi32, #tpu.memory_space<vmem>>
    %dma_start3A_154 = tpu.memref_squeeze %dma_start3A_153 : memref<1x128xi32, #tpu.memory_space<vmem>> -> memref<128xi32, #tpu.memory_space<vmem>>
    %dma_start3A_155 = arith.constant 0 : i32
    %dma_start3A_156 = arith.constant 0 : i32
    %dma_start3A_157 = tpu.memref_slice %arg5[%dma_start3A_155, %dma_start3A_156] : memref<1000000x16xf32, #tpu.memory_space<hbm>> -> memref<1000000x16xf32, #tpu.memory_space<hbm>>
    tpu.enqueue_indirect_dma source(%dma_start3A_157 : memref<1000000x16xf32, #tpu.memory_space<hbm>>) target(%dma_start3A_151 : memref<128x16xf32, #tpu.memory_space<vmem>>) offsets(%dma_start3A_154 : memref<128xi32, #tpu.memory_space<vmem>>) semaphore(%arg18 : memref<!tpu.dma_semaphore, #tpu.memory_space<semaphore_mem>>)
    %dma_start3A_158 = arith.constant 3 : i32
    %dma_start3A_159 = arith.constant 3 : i32
    %dma_start3A_160 = arith.constant 0 : i32
    %dma_start3A_161 = tpu.memref_slice %arg16[%dma_start3A_159, %dma_start3A_160] : memref<4x128xf32, #tpu.memory_space<vmem>> -> memref<1x128xf32, #tpu.memory_space<vmem>>
    %dma_start3A_162 = tpu.memref_squeeze %dma_start3A_161 : memref<1x128xf32, #tpu.memory_space<vmem>> -> memref<128xf32, #tpu.memory_space<vmem>>
    %dma_start3A_163 = arith.constant 0 : i32
    %dma_start3A_164 = tpu.memref_slice %arg12[%dma_start3A_158, %dma_start3A_163] : memref<4x128xi32, #tpu.memory_space<vmem>> -> memref<1x128xi32, #tpu.memory_space<vmem>>
    %dma_start3A_165 = tpu.memref_squeeze %dma_start3A_164 : memref<1x128xi32, #tpu.memory_space<vmem>> -> memref<128xi32, #tpu.memory_space<vmem>>
    %dma_start3A_166 = arith.constant 0 : i32
    %dma_start3A_167 = tpu.memref_slice %arg6[%dma_start3A_166] : memref<1000000xf32, #tpu.memory_space<hbm>> -> memref<1000000xf32, #tpu.memory_space<hbm>>
    tpu.enqueue_indirect_dma source(%dma_start3A_167 : memref<1000000xf32, #tpu.memory_space<hbm>>) target(%dma_start3A_162 : memref<128xf32, #tpu.memory_space<vmem>>) offsets(%dma_start3A_165 : memref<128xi32, #tpu.memory_space<vmem>>) semaphore(%arg18 : memref<!tpu.dma_semaphore, #tpu.memory_space<semaphore_mem>>)
    %dma_start3A_168 = arith.constant 3 : i32
    %dma_start3A_169 = arith.constant 3 : i32
    %dma_start3A_170 = arith.constant 0 : i32
    %dma_start3A_171 = tpu.memref_slice %arg17[%dma_start3A_169, %dma_start3A_170] : memref<4x128xf32, #tpu.memory_space<vmem>> -> memref<1x128xf32, #tpu.memory_space<vmem>>
    %dma_start3A_172 = tpu.memref_squeeze %dma_start3A_171 : memref<1x128xf32, #tpu.memory_space<vmem>> -> memref<128xf32, #tpu.memory_space<vmem>>
    %dma_start3A_173 = arith.constant 0 : i32
    %dma_start3A_174 = tpu.memref_slice %arg13[%dma_start3A_168, %dma_start3A_173] : memref<4x128xi32, #tpu.memory_space<vmem>> -> memref<1x128xi32, #tpu.memory_space<vmem>>
    %dma_start3A_175 = tpu.memref_squeeze %dma_start3A_174 : memref<1x128xi32, #tpu.memory_space<vmem>> -> memref<128xi32, #tpu.memory_space<vmem>>
    %dma_start3A_176 = arith.constant 0 : i32
    %dma_start3A_177 = tpu.memref_slice %arg7[%dma_start3A_176] : memref<1000000xf32, #tpu.memory_space<hbm>> -> memref<1000000xf32, #tpu.memory_space<hbm>>
    tpu.enqueue_indirect_dma source(%dma_start3A_177 : memref<1000000xf32, #tpu.memory_space<hbm>>) target(%dma_start3A_172 : memref<128xf32, #tpu.memory_space<vmem>>) offsets(%dma_start3A_175 : memref<128xi32, #tpu.memory_space<vmem>>) semaphore(%arg18 : memref<!tpu.dma_semaphore, #tpu.memory_space<semaphore_mem>>)
    %dma_wait3A = arith.constant 0 : i32
    %dma_wait3A_178 = arith.constant 0 : i32
    %dma_wait3A_179 = arith.constant 0 : i32
    %dma_wait3A_180 = arith.constant 0 : i32
    %dma_wait3A_181 = tpu.memref_slice %arg14[%dma_wait3A_178, %dma_wait3A_179, %dma_wait3A_180] : memref<4x128x16xf32, #tpu.memory_space<vmem>> -> memref<1x128x16xf32, #tpu.memory_space<vmem>>
    %dma_wait3A_182 = tpu.memref_squeeze %dma_wait3A_181 : memref<1x128x16xf32, #tpu.memory_space<vmem>> -> memref<128x16xf32, #tpu.memory_space<vmem>>
    %dma_wait3A_183 = arith.constant 0 : i32
    %dma_wait3A_184 = tpu.memref_slice %arg12[%dma_wait3A, %dma_wait3A_183] : memref<4x128xi32, #tpu.memory_space<vmem>> -> memref<1x128xi32, #tpu.memory_space<vmem>>
    %dma_wait3A_185 = tpu.memref_squeeze %dma_wait3A_184 : memref<1x128xi32, #tpu.memory_space<vmem>> -> memref<128xi32, #tpu.memory_space<vmem>>
    %dma_wait3A_186 = arith.constant 0 : i32
    %dma_wait3A_187 = arith.constant 0 : i32
    %dma_wait3A_188 = tpu.memref_slice %arg4[%dma_wait3A_186, %dma_wait3A_187] : memref<1000000x16xf32, #tpu.memory_space<hbm>> -> memref<1000000x16xf32, #tpu.memory_space<hbm>>
    tpu.wait_indirect_dma semaphore(%arg18 : memref<!tpu.dma_semaphore, #tpu.memory_space<semaphore_mem>>) src(%dma_wait3A_188 : memref<1000000x16xf32, #tpu.memory_space<hbm>>) dst(%dma_wait3A_182 : memref<128x16xf32, #tpu.memory_space<vmem>>)
    %dma_wait3A_189 = arith.constant 0 : i32
    %dma_wait3A_190 = arith.constant 0 : i32
    %dma_wait3A_191 = arith.constant 0 : i32
    %dma_wait3A_192 = arith.constant 0 : i32
    %dma_wait3A_193 = tpu.memref_slice %arg15[%dma_wait3A_190, %dma_wait3A_191, %dma_wait3A_192] : memref<4x128x16xf32, #tpu.memory_space<vmem>> -> memref<1x128x16xf32, #tpu.memory_space<vmem>>
    %dma_wait3A_194 = tpu.memref_squeeze %dma_wait3A_193 : memref<1x128x16xf32, #tpu.memory_space<vmem>> -> memref<128x16xf32, #tpu.memory_space<vmem>>
    %dma_wait3A_195 = arith.constant 0 : i32
    %dma_wait3A_196 = tpu.memref_slice %arg13[%dma_wait3A_189, %dma_wait3A_195] : memref<4x128xi32, #tpu.memory_space<vmem>> -> memref<1x128xi32, #tpu.memory_space<vmem>>
    %dma_wait3A_197 = tpu.memref_squeeze %dma_wait3A_196 : memref<1x128xi32, #tpu.memory_space<vmem>> -> memref<128xi32, #tpu.memory_space<vmem>>
    %dma_wait3A_198 = arith.constant 0 : i32
    %dma_wait3A_199 = arith.constant 0 : i32
    %dma_wait3A_200 = tpu.memref_slice %arg5[%dma_wait3A_198, %dma_wait3A_199] : memref<1000000x16xf32, #tpu.memory_space<hbm>> -> memref<1000000x16xf32, #tpu.memory_space<hbm>>
    tpu.wait_indirect_dma semaphore(%arg18 : memref<!tpu.dma_semaphore, #tpu.memory_space<semaphore_mem>>) src(%dma_wait3A_200 : memref<1000000x16xf32, #tpu.memory_space<hbm>>) dst(%dma_wait3A_194 : memref<128x16xf32, #tpu.memory_space<vmem>>)
    %dma_wait3A_201 = arith.constant 0 : i32
    %dma_wait3A_202 = arith.constant 0 : i32
    %dma_wait3A_203 = arith.constant 0 : i32
    %dma_wait3A_204 = tpu.memref_slice %arg16[%dma_wait3A_202, %dma_wait3A_203] : memref<4x128xf32, #tpu.memory_space<vmem>> -> memref<1x128xf32, #tpu.memory_space<vmem>>
    %dma_wait3A_205 = tpu.memref_squeeze %dma_wait3A_204 : memref<1x128xf32, #tpu.memory_space<vmem>> -> memref<128xf32, #tpu.memory_space<vmem>>
    %dma_wait3A_206 = arith.constant 0 : i32
    %dma_wait3A_207 = tpu.memref_slice %arg12[%dma_wait3A_201, %dma_wait3A_206] : memref<4x128xi32, #tpu.memory_space<vmem>> -> memref<1x128xi32, #tpu.memory_space<vmem>>
    %dma_wait3A_208 = tpu.memref_squeeze %dma_wait3A_207 : memref<1x128xi32, #tpu.memory_space<vmem>> -> memref<128xi32, #tpu.memory_space<vmem>>
    %dma_wait3A_209 = arith.constant 0 : i32
    %dma_wait3A_210 = tpu.memref_slice %arg6[%dma_wait3A_209] : memref<1000000xf32, #tpu.memory_space<hbm>> -> memref<1000000xf32, #tpu.memory_space<hbm>>
    tpu.wait_indirect_dma semaphore(%arg18 : memref<!tpu.dma_semaphore, #tpu.memory_space<semaphore_mem>>) src(%dma_wait3A_210 : memref<1000000xf32, #tpu.memory_space<hbm>>) dst(%dma_wait3A_205 : memref<128xf32, #tpu.memory_space<vmem>>)
    %dma_wait3A_211 = arith.constant 0 : i32
    %dma_wait3A_212 = arith.constant 0 : i32
    %dma_wait3A_213 = arith.constant 0 : i32
    %dma_wait3A_214 = tpu.memref_slice %arg17[%dma_wait3A_212, %dma_wait3A_213] : memref<4x128xf32, #tpu.memory_space<vmem>> -> memref<1x128xf32, #tpu.memory_space<vmem>>
    %dma_wait3A_215 = tpu.memref_squeeze %dma_wait3A_214 : memref<1x128xf32, #tpu.memory_space<vmem>> -> memref<128xf32, #tpu.memory_space<vmem>>
    %dma_wait3A_216 = arith.constant 0 : i32
    %dma_wait3A_217 = tpu.memref_slice %arg13[%dma_wait3A_211, %dma_wait3A_216] : memref<4x128xi32, #tpu.memory_space<vmem>> -> memref<1x128xi32, #tpu.memory_space<vmem>>
    %dma_wait3A_218 = tpu.memref_squeeze %dma_wait3A_217 : memref<1x128xi32, #tpu.memory_space<vmem>> -> memref<128xi32, #tpu.memory_space<vmem>>
    %dma_wait3A_219 = arith.constant 0 : i32
    %dma_wait3A_220 = tpu.memref_slice %arg7[%dma_wait3A_219] : memref<1000000xf32, #tpu.memory_space<hbm>> -> memref<1000000xf32, #tpu.memory_space<hbm>>
    tpu.wait_indirect_dma semaphore(%arg18 : memref<!tpu.dma_semaphore, #tpu.memory_space<semaphore_mem>>) src(%dma_wait3A_220 : memref<1000000xf32, #tpu.memory_space<hbm>>) dst(%dma_wait3A_215 : memref<128xf32, #tpu.memory_space<vmem>>)
    %dma_wait3A_221 = arith.constant 1 : i32
    %dma_wait3A_222 = arith.constant 1 : i32
    %dma_wait3A_223 = arith.constant 0 : i32
    %dma_wait3A_224 = arith.constant 0 : i32
    %dma_wait3A_225 = tpu.memref_slice %arg14[%dma_wait3A_222, %dma_wait3A_223, %dma_wait3A_224] : memref<4x128x16xf32, #tpu.memory_space<vmem>> -> memref<1x128x16xf32, #tpu.memory_space<vmem>>
    %dma_wait3A_226 = tpu.memref_squeeze %dma_wait3A_225 : memref<1x128x16xf32, #tpu.memory_space<vmem>> -> memref<128x16xf32, #tpu.memory_space<vmem>>
    %dma_wait3A_227 = arith.constant 0 : i32
    %dma_wait3A_228 = tpu.memref_slice %arg12[%dma_wait3A_221, %dma_wait3A_227] : memref<4x128xi32, #tpu.memory_space<vmem>> -> memref<1x128xi32, #tpu.memory_space<vmem>>
    %dma_wait3A_229 = tpu.memref_squeeze %dma_wait3A_228 : memref<1x128xi32, #tpu.memory_space<vmem>> -> memref<128xi32, #tpu.memory_space<vmem>>
    %dma_wait3A_230 = arith.constant 0 : i32
    %dma_wait3A_231 = arith.constant 0 : i32
    %dma_wait3A_232 = tpu.memref_slice %arg4[%dma_wait3A_230, %dma_wait3A_231] : memref<1000000x16xf32, #tpu.memory_space<hbm>> -> memref<1000000x16xf32, #tpu.memory_space<hbm>>
    tpu.wait_indirect_dma semaphore(%arg18 : memref<!tpu.dma_semaphore, #tpu.memory_space<semaphore_mem>>) src(%dma_wait3A_232 : memref<1000000x16xf32, #tpu.memory_space<hbm>>) dst(%dma_wait3A_226 : memref<128x16xf32, #tpu.memory_space<vmem>>)
    %dma_wait3A_233 = arith.constant 1 : i32
    %dma_wait3A_234 = arith.constant 1 : i32
    %dma_wait3A_235 = arith.constant 0 : i32
    %dma_wait3A_236 = arith.constant 0 : i32
    %dma_wait3A_237 = tpu.memref_slice %arg15[%dma_wait3A_234, %dma_wait3A_235, %dma_wait3A_236] : memref<4x128x16xf32, #tpu.memory_space<vmem>> -> memref<1x128x16xf32, #tpu.memory_space<vmem>>
    %dma_wait3A_238 = tpu.memref_squeeze %dma_wait3A_237 : memref<1x128x16xf32, #tpu.memory_space<vmem>> -> memref<128x16xf32, #tpu.memory_space<vmem>>
    %dma_wait3A_239 = arith.constant 0 : i32
    %dma_wait3A_240 = tpu.memref_slice %arg13[%dma_wait3A_233, %dma_wait3A_239] : memref<4x128xi32, #tpu.memory_space<vmem>> -> memref<1x128xi32, #tpu.memory_space<vmem>>
    %dma_wait3A_241 = tpu.memref_squeeze %dma_wait3A_240 : memref<1x128xi32, #tpu.memory_space<vmem>> -> memref<128xi32, #tpu.memory_space<vmem>>
    %dma_wait3A_242 = arith.constant 0 : i32
    %dma_wait3A_243 = arith.constant 0 : i32
    %dma_wait3A_244 = tpu.memref_slice %arg5[%dma_wait3A_242, %dma_wait3A_243] : memref<1000000x16xf32, #tpu.memory_space<hbm>> -> memref<1000000x16xf32, #tpu.memory_space<hbm>>
    tpu.wait_indirect_dma semaphore(%arg18 : memref<!tpu.dma_semaphore, #tpu.memory_space<semaphore_mem>>) src(%dma_wait3A_244 : memref<1000000x16xf32, #tpu.memory_space<hbm>>) dst(%dma_wait3A_238 : memref<128x16xf32, #tpu.memory_space<vmem>>)
    %dma_wait3A_245 = arith.constant 1 : i32
    %dma_wait3A_246 = arith.constant 1 : i32
    %dma_wait3A_247 = arith.constant 0 : i32
    %dma_wait3A_248 = tpu.memref_slice %arg16[%dma_wait3A_246, %dma_wait3A_247] : memref<4x128xf32, #tpu.memory_space<vmem>> -> memref<1x128xf32, #tpu.memory_space<vmem>>
    %dma_wait3A_249 = tpu.memref_squeeze %dma_wait3A_248 : memref<1x128xf32, #tpu.memory_space<vmem>> -> memref<128xf32, #tpu.memory_space<vmem>>
    %dma_wait3A_250 = arith.constant 0 : i32
    %dma_wait3A_251 = tpu.memref_slice %arg12[%dma_wait3A_245, %dma_wait3A_250] : memref<4x128xi32, #tpu.memory_space<vmem>> -> memref<1x128xi32, #tpu.memory_space<vmem>>
    %dma_wait3A_252 = tpu.memref_squeeze %dma_wait3A_251 : memref<1x128xi32, #tpu.memory_space<vmem>> -> memref<128xi32, #tpu.memory_space<vmem>>
    %dma_wait3A_253 = arith.constant 0 : i32
    %dma_wait3A_254 = tpu.memref_slice %arg6[%dma_wait3A_253] : memref<1000000xf32, #tpu.memory_space<hbm>> -> memref<1000000xf32, #tpu.memory_space<hbm>>
    tpu.wait_indirect_dma semaphore(%arg18 : memref<!tpu.dma_semaphore, #tpu.memory_space<semaphore_mem>>) src(%dma_wait3A_254 : memref<1000000xf32, #tpu.memory_space<hbm>>) dst(%dma_wait3A_249 : memref<128xf32, #tpu.memory_space<vmem>>)
    %dma_wait3A_255 = arith.constant 1 : i32
    %dma_wait3A_256 = arith.constant 1 : i32
    %dma_wait3A_257 = arith.constant 0 : i32
    %dma_wait3A_258 = tpu.memref_slice %arg17[%dma_wait3A_256, %dma_wait3A_257] : memref<4x128xf32, #tpu.memory_space<vmem>> -> memref<1x128xf32, #tpu.memory_space<vmem>>
    %dma_wait3A_259 = tpu.memref_squeeze %dma_wait3A_258 : memref<1x128xf32, #tpu.memory_space<vmem>> -> memref<128xf32, #tpu.memory_space<vmem>>
    %dma_wait3A_260 = arith.constant 0 : i32
    %dma_wait3A_261 = tpu.memref_slice %arg13[%dma_wait3A_255, %dma_wait3A_260] : memref<4x128xi32, #tpu.memory_space<vmem>> -> memref<1x128xi32, #tpu.memory_space<vmem>>
    %dma_wait3A_262 = tpu.memref_squeeze %dma_wait3A_261 : memref<1x128xi32, #tpu.memory_space<vmem>> -> memref<128xi32, #tpu.memory_space<vmem>>
    %dma_wait3A_263 = arith.constant 0 : i32
    %dma_wait3A_264 = tpu.memref_slice %arg7[%dma_wait3A_263] : memref<1000000xf32, #tpu.memory_space<hbm>> -> memref<1000000xf32, #tpu.memory_space<hbm>>
    tpu.wait_indirect_dma semaphore(%arg18 : memref<!tpu.dma_semaphore, #tpu.memory_space<semaphore_mem>>) src(%dma_wait3A_264 : memref<1000000xf32, #tpu.memory_space<hbm>>) dst(%dma_wait3A_259 : memref<128xf32, #tpu.memory_space<vmem>>)
    %dma_wait3A_265 = arith.constant 2 : i32
    %dma_wait3A_266 = arith.constant 2 : i32
    %dma_wait3A_267 = arith.constant 0 : i32
    %dma_wait3A_268 = arith.constant 0 : i32
    %dma_wait3A_269 = tpu.memref_slice %arg14[%dma_wait3A_266, %dma_wait3A_267, %dma_wait3A_268] : memref<4x128x16xf32, #tpu.memory_space<vmem>> -> memref<1x128x16xf32, #tpu.memory_space<vmem>>
    %dma_wait3A_270 = tpu.memref_squeeze %dma_wait3A_269 : memref<1x128x16xf32, #tpu.memory_space<vmem>> -> memref<128x16xf32, #tpu.memory_space<vmem>>
    %dma_wait3A_271 = arith.constant 0 : i32
    %dma_wait3A_272 = tpu.memref_slice %arg12[%dma_wait3A_265, %dma_wait3A_271] : memref<4x128xi32, #tpu.memory_space<vmem>> -> memref<1x128xi32, #tpu.memory_space<vmem>>
    %dma_wait3A_273 = tpu.memref_squeeze %dma_wait3A_272 : memref<1x128xi32, #tpu.memory_space<vmem>> -> memref<128xi32, #tpu.memory_space<vmem>>
    %dma_wait3A_274 = arith.constant 0 : i32
    %dma_wait3A_275 = arith.constant 0 : i32
    %dma_wait3A_276 = tpu.memref_slice %arg4[%dma_wait3A_274, %dma_wait3A_275] : memref<1000000x16xf32, #tpu.memory_space<hbm>> -> memref<1000000x16xf32, #tpu.memory_space<hbm>>
    tpu.wait_indirect_dma semaphore(%arg18 : memref<!tpu.dma_semaphore, #tpu.memory_space<semaphore_mem>>) src(%dma_wait3A_276 : memref<1000000x16xf32, #tpu.memory_space<hbm>>) dst(%dma_wait3A_270 : memref<128x16xf32, #tpu.memory_space<vmem>>)
    %dma_wait3A_277 = arith.constant 2 : i32
    %dma_wait3A_278 = arith.constant 2 : i32
    %dma_wait3A_279 = arith.constant 0 : i32
    %dma_wait3A_280 = arith.constant 0 : i32
    %dma_wait3A_281 = tpu.memref_slice %arg15[%dma_wait3A_278, %dma_wait3A_279, %dma_wait3A_280] : memref<4x128x16xf32, #tpu.memory_space<vmem>> -> memref<1x128x16xf32, #tpu.memory_space<vmem>>
    %dma_wait3A_282 = tpu.memref_squeeze %dma_wait3A_281 : memref<1x128x16xf32, #tpu.memory_space<vmem>> -> memref<128x16xf32, #tpu.memory_space<vmem>>
    %dma_wait3A_283 = arith.constant 0 : i32
    %dma_wait3A_284 = tpu.memref_slice %arg13[%dma_wait3A_277, %dma_wait3A_283] : memref<4x128xi32, #tpu.memory_space<vmem>> -> memref<1x128xi32, #tpu.memory_space<vmem>>
    %dma_wait3A_285 = tpu.memref_squeeze %dma_wait3A_284 : memref<1x128xi32, #tpu.memory_space<vmem>> -> memref<128xi32, #tpu.memory_space<vmem>>
    %dma_wait3A_286 = arith.constant 0 : i32
    %dma_wait3A_287 = arith.constant 0 : i32
    %dma_wait3A_288 = tpu.memref_slice %arg5[%dma_wait3A_286, %dma_wait3A_287] : memref<1000000x16xf32, #tpu.memory_space<hbm>> -> memref<1000000x16xf32, #tpu.memory_space<hbm>>
    tpu.wait_indirect_dma semaphore(%arg18 : memref<!tpu.dma_semaphore, #tpu.memory_space<semaphore_mem>>) src(%dma_wait3A_288 : memref<1000000x16xf32, #tpu.memory_space<hbm>>) dst(%dma_wait3A_282 : memref<128x16xf32, #tpu.memory_space<vmem>>)
    %dma_wait3A_289 = arith.constant 2 : i32
    %dma_wait3A_290 = arith.constant 2 : i32
    %dma_wait3A_291 = arith.constant 0 : i32
    %dma_wait3A_292 = tpu.memref_slice %arg16[%dma_wait3A_290, %dma_wait3A_291] : memref<4x128xf32, #tpu.memory_space<vmem>> -> memref<1x128xf32, #tpu.memory_space<vmem>>
    %dma_wait3A_293 = tpu.memref_squeeze %dma_wait3A_292 : memref<1x128xf32, #tpu.memory_space<vmem>> -> memref<128xf32, #tpu.memory_space<vmem>>
    %dma_wait3A_294 = arith.constant 0 : i32
    %dma_wait3A_295 = tpu.memref_slice %arg12[%dma_wait3A_289, %dma_wait3A_294] : memref<4x128xi32, #tpu.memory_space<vmem>> -> memref<1x128xi32, #tpu.memory_space<vmem>>
    %dma_wait3A_296 = tpu.memref_squeeze %dma_wait3A_295 : memref<1x128xi32, #tpu.memory_space<vmem>> -> memref<128xi32, #tpu.memory_space<vmem>>
    %dma_wait3A_297 = arith.constant 0 : i32
    %dma_wait3A_298 = tpu.memref_slice %arg6[%dma_wait3A_297] : memref<1000000xf32, #tpu.memory_space<hbm>> -> memref<1000000xf32, #tpu.memory_space<hbm>>
    tpu.wait_indirect_dma semaphore(%arg18 : memref<!tpu.dma_semaphore, #tpu.memory_space<semaphore_mem>>) src(%dma_wait3A_298 : memref<1000000xf32, #tpu.memory_space<hbm>>) dst(%dma_wait3A_293 : memref<128xf32, #tpu.memory_space<vmem>>)
    %dma_wait3A_299 = arith.constant 2 : i32
    %dma_wait3A_300 = arith.constant 2 : i32
    %dma_wait3A_301 = arith.constant 0 : i32
    %dma_wait3A_302 = tpu.memref_slice %arg17[%dma_wait3A_300, %dma_wait3A_301] : memref<4x128xf32, #tpu.memory_space<vmem>> -> memref<1x128xf32, #tpu.memory_space<vmem>>
    %dma_wait3A_303 = tpu.memref_squeeze %dma_wait3A_302 : memref<1x128xf32, #tpu.memory_space<vmem>> -> memref<128xf32, #tpu.memory_space<vmem>>
    %dma_wait3A_304 = arith.constant 0 : i32
    %dma_wait3A_305 = tpu.memref_slice %arg13[%dma_wait3A_299, %dma_wait3A_304] : memref<4x128xi32, #tpu.memory_space<vmem>> -> memref<1x128xi32, #tpu.memory_space<vmem>>
    %dma_wait3A_306 = tpu.memref_squeeze %dma_wait3A_305 : memref<1x128xi32, #tpu.memory_space<vmem>> -> memref<128xi32, #tpu.memory_space<vmem>>
    %dma_wait3A_307 = arith.constant 0 : i32
    %dma_wait3A_308 = tpu.memref_slice %arg7[%dma_wait3A_307] : memref<1000000xf32, #tpu.memory_space<hbm>> -> memref<1000000xf32, #tpu.memory_space<hbm>>
    tpu.wait_indirect_dma semaphore(%arg18 : memref<!tpu.dma_semaphore, #tpu.memory_space<semaphore_mem>>) src(%dma_wait3A_308 : memref<1000000xf32, #tpu.memory_space<hbm>>) dst(%dma_wait3A_303 : memref<128xf32, #tpu.memory_space<vmem>>)
    %dma_wait3A_309 = arith.constant 3 : i32
    %dma_wait3A_310 = arith.constant 3 : i32
    %dma_wait3A_311 = arith.constant 0 : i32
    %dma_wait3A_312 = arith.constant 0 : i32
    %dma_wait3A_313 = tpu.memref_slice %arg14[%dma_wait3A_310, %dma_wait3A_311, %dma_wait3A_312] : memref<4x128x16xf32, #tpu.memory_space<vmem>> -> memref<1x128x16xf32, #tpu.memory_space<vmem>>
    %dma_wait3A_314 = tpu.memref_squeeze %dma_wait3A_313 : memref<1x128x16xf32, #tpu.memory_space<vmem>> -> memref<128x16xf32, #tpu.memory_space<vmem>>
    %dma_wait3A_315 = arith.constant 0 : i32
    %dma_wait3A_316 = tpu.memref_slice %arg12[%dma_wait3A_309, %dma_wait3A_315] : memref<4x128xi32, #tpu.memory_space<vmem>> -> memref<1x128xi32, #tpu.memory_space<vmem>>
    %dma_wait3A_317 = tpu.memref_squeeze %dma_wait3A_316 : memref<1x128xi32, #tpu.memory_space<vmem>> -> memref<128xi32, #tpu.memory_space<vmem>>
    %dma_wait3A_318 = arith.constant 0 : i32
    %dma_wait3A_319 = arith.constant 0 : i32
    %dma_wait3A_320 = tpu.memref_slice %arg4[%dma_wait3A_318, %dma_wait3A_319] : memref<1000000x16xf32, #tpu.memory_space<hbm>> -> memref<1000000x16xf32, #tpu.memory_space<hbm>>
    tpu.wait_indirect_dma semaphore(%arg18 : memref<!tpu.dma_semaphore, #tpu.memory_space<semaphore_mem>>) src(%dma_wait3A_320 : memref<1000000x16xf32, #tpu.memory_space<hbm>>) dst(%dma_wait3A_314 : memref<128x16xf32, #tpu.memory_space<vmem>>)
    %dma_wait3A_321 = arith.constant 3 : i32
    %dma_wait3A_322 = arith.constant 3 : i32
    %dma_wait3A_323 = arith.constant 0 : i32
    %dma_wait3A_324 = arith.constant 0 : i32
    %dma_wait3A_325 = tpu.memref_slice %arg15[%dma_wait3A_322, %dma_wait3A_323, %dma_wait3A_324] : memref<4x128x16xf32, #tpu.memory_space<vmem>> -> memref<1x128x16xf32, #tpu.memory_space<vmem>>
    %dma_wait3A_326 = tpu.memref_squeeze %dma_wait3A_325 : memref<1x128x16xf32, #tpu.memory_space<vmem>> -> memref<128x16xf32, #tpu.memory_space<vmem>>
    %dma_wait3A_327 = arith.constant 0 : i32
    %dma_wait3A_328 = tpu.memref_slice %arg13[%dma_wait3A_321, %dma_wait3A_327] : memref<4x128xi32, #tpu.memory_space<vmem>> -> memref<1x128xi32, #tpu.memory_space<vmem>>
    %dma_wait3A_329 = tpu.memref_squeeze %dma_wait3A_328 : memref<1x128xi32, #tpu.memory_space<vmem>> -> memref<128xi32, #tpu.memory_space<vmem>>
    %dma_wait3A_330 = arith.constant 0 : i32
    %dma_wait3A_331 = arith.constant 0 : i32
    %dma_wait3A_332 = tpu.memref_slice %arg5[%dma_wait3A_330, %dma_wait3A_331] : memref<1000000x16xf32, #tpu.memory_space<hbm>> -> memref<1000000x16xf32, #tpu.memory_space<hbm>>
    tpu.wait_indirect_dma semaphore(%arg18 : memref<!tpu.dma_semaphore, #tpu.memory_space<semaphore_mem>>) src(%dma_wait3A_332 : memref<1000000x16xf32, #tpu.memory_space<hbm>>) dst(%dma_wait3A_326 : memref<128x16xf32, #tpu.memory_space<vmem>>)
    %dma_wait3A_333 = arith.constant 3 : i32
    %dma_wait3A_334 = arith.constant 3 : i32
    %dma_wait3A_335 = arith.constant 0 : i32
    %dma_wait3A_336 = tpu.memref_slice %arg16[%dma_wait3A_334, %dma_wait3A_335] : memref<4x128xf32, #tpu.memory_space<vmem>> -> memref<1x128xf32, #tpu.memory_space<vmem>>
    %dma_wait3A_337 = tpu.memref_squeeze %dma_wait3A_336 : memref<1x128xf32, #tpu.memory_space<vmem>> -> memref<128xf32, #tpu.memory_space<vmem>>
    %dma_wait3A_338 = arith.constant 0 : i32
    %dma_wait3A_339 = tpu.memref_slice %arg12[%dma_wait3A_333, %dma_wait3A_338] : memref<4x128xi32, #tpu.memory_space<vmem>> -> memref<1x128xi32, #tpu.memory_space<vmem>>
    %dma_wait3A_340 = tpu.memref_squeeze %dma_wait3A_339 : memref<1x128xi32, #tpu.memory_space<vmem>> -> memref<128xi32, #tpu.memory_space<vmem>>
    %dma_wait3A_341 = arith.constant 0 : i32
    %dma_wait3A_342 = tpu.memref_slice %arg6[%dma_wait3A_341] : memref<1000000xf32, #tpu.memory_space<hbm>> -> memref<1000000xf32, #tpu.memory_space<hbm>>
    tpu.wait_indirect_dma semaphore(%arg18 : memref<!tpu.dma_semaphore, #tpu.memory_space<semaphore_mem>>) src(%dma_wait3A_342 : memref<1000000xf32, #tpu.memory_space<hbm>>) dst(%dma_wait3A_337 : memref<128xf32, #tpu.memory_space<vmem>>)
    %dma_wait3A_343 = arith.constant 3 : i32
    %dma_wait3A_344 = arith.constant 3 : i32
    %dma_wait3A_345 = arith.constant 0 : i32
    %dma_wait3A_346 = tpu.memref_slice %arg17[%dma_wait3A_344, %dma_wait3A_345] : memref<4x128xf32, #tpu.memory_space<vmem>> -> memref<1x128xf32, #tpu.memory_space<vmem>>
    %dma_wait3A_347 = tpu.memref_squeeze %dma_wait3A_346 : memref<1x128xf32, #tpu.memory_space<vmem>> -> memref<128xf32, #tpu.memory_space<vmem>>
    %dma_wait3A_348 = arith.constant 0 : i32
    %dma_wait3A_349 = tpu.memref_slice %arg13[%dma_wait3A_343, %dma_wait3A_348] : memref<4x128xi32, #tpu.memory_space<vmem>> -> memref<1x128xi32, #tpu.memory_space<vmem>>
    %dma_wait3A_350 = tpu.memref_squeeze %dma_wait3A_349 : memref<1x128xi32, #tpu.memory_space<vmem>> -> memref<128xi32, #tpu.memory_space<vmem>>
    %dma_wait3A_351 = arith.constant 0 : i32
    %dma_wait3A_352 = tpu.memref_slice %arg7[%dma_wait3A_351] : memref<1000000xf32, #tpu.memory_space<hbm>> -> memref<1000000xf32, #tpu.memory_space<hbm>>
    tpu.wait_indirect_dma semaphore(%arg18 : memref<!tpu.dma_semaphore, #tpu.memory_space<semaphore_mem>>) src(%dma_wait3A_352 : memref<1000000xf32, #tpu.memory_space<hbm>>) dst(%dma_wait3A_347 : memref<128xf32, #tpu.memory_space<vmem>>)
    %add3A_353 = arith.constant 0 : i32
    %add3A_354 = arith.addi %mul3A_2, %add3A_353 : i32
    %mul3A_355 = arith.constant 128 : i32
    %mul3A_356 = arith.muli %add3A_354, %mul3A_355 : i32
    %run_scoped3A = arith.constant 0 : i32
    "tpu.region"() ({
      %run_scoped3A_376 = tpu.sem_alloc : memref<!tpu.dma_semaphore, #tpu.memory_space<semaphore_mem>>
      %dma_start3A_377 = arith.constant 0 : i32
      %dma_start3A_378 = arith.constant 0 : i32
      %dma_start3A_379 = tpu.memref_slice %arg14[%run_scoped3A, %dma_start3A_377, %dma_start3A_378] : memref<4x128x16xf32, #tpu.memory_space<vmem>> -> memref<1x128x16xf32, #tpu.memory_space<vmem>>
      %dma_start3A_380 = tpu.memref_squeeze %dma_start3A_379 : memref<1x128x16xf32, #tpu.memory_space<vmem>> -> memref<128x16xf32, #tpu.memory_space<vmem>>
      %dma_start3A_381 = arith.constant 0 : i32
      %dma_start3A_382 = tpu.memref_slice %arg8[%mul3A_356, %dma_start3A_381] : memref<16384x16xf32, #tpu.memory_space<hbm>> -> memref<128x16xf32, #tpu.memory_space<hbm>>
      %dma_start3A_383 = arith.constant 0 : i32
      %dma_start3A_384 = tpu.memref_slice %arg8[%mul3A_356, %dma_start3A_383] : memref<16384x16xf32, #tpu.memory_space<hbm>> -> memref<128x16xf32, #tpu.memory_space<hbm>>
      %dma_start3A_385 = arith.constant 0 : i32
      %dma_start3A_386 = arith.constant 0 : i32
      %dma_start3A_387 = tpu.memref_slice %arg14[%run_scoped3A, %dma_start3A_385, %dma_start3A_386] : memref<4x128x16xf32, #tpu.memory_space<vmem>> -> memref<1x128x16xf32, #tpu.memory_space<vmem>>
      %dma_start3A_388 = tpu.memref_squeeze %dma_start3A_387 : memref<1x128x16xf32, #tpu.memory_space<vmem>> -> memref<128x16xf32, #tpu.memory_space<vmem>>
      tpu.enqueue_dma source(%dma_start3A_388 : memref<128x16xf32, #tpu.memory_space<vmem>>) target(%dma_start3A_384 : memref<128x16xf32, #tpu.memory_space<hbm>>) target_semaphore(%run_scoped3A_376 : memref<!tpu.dma_semaphore, #tpu.memory_space<semaphore_mem>>)
      %dma_wait3A_389 = arith.constant 0 : i32
      %dma_wait3A_390 = arith.constant 0 : i32
      %dma_wait3A_391 = tpu.memref_slice %arg14[%run_scoped3A, %dma_wait3A_389, %dma_wait3A_390] : memref<4x128x16xf32, #tpu.memory_space<vmem>> -> memref<1x128x16xf32, #tpu.memory_space<vmem>>
      %dma_wait3A_392 = tpu.memref_squeeze %dma_wait3A_391 : memref<1x128x16xf32, #tpu.memory_space<vmem>> -> memref<128x16xf32, #tpu.memory_space<vmem>>
      %dma_wait3A_393 = arith.constant 0 : i32
      %dma_wait3A_394 = tpu.memref_slice %arg8[%mul3A_356, %dma_wait3A_393] : memref<16384x16xf32, #tpu.memory_space<hbm>> -> memref<128x16xf32, #tpu.memory_space<hbm>>
      %dma_wait3A_395 = arith.constant 0 : i32
      %dma_wait3A_396 = tpu.memref_slice %arg8[%mul3A_356, %dma_wait3A_395] : memref<16384x16xf32, #tpu.memory_space<hbm>> -> memref<128x16xf32, #tpu.memory_space<hbm>>
      %dma_wait3A_397 = arith.constant 0 : i32
      %dma_wait3A_398 = arith.constant 0 : i32
      %dma_wait3A_399 = tpu.memref_slice %arg14[%run_scoped3A, %dma_wait3A_397, %dma_wait3A_398] : memref<4x128x16xf32, #tpu.memory_space<vmem>> -> memref<1x128x16xf32, #tpu.memory_space<vmem>>
      %dma_wait3A_400 = tpu.memref_squeeze %dma_wait3A_399 : memref<1x128x16xf32, #tpu.memory_space<vmem>> -> memref<128x16xf32, #tpu.memory_space<vmem>>
      tpu.wait_dma2 semaphore(%run_scoped3A_376 : memref<!tpu.dma_semaphore, #tpu.memory_space<semaphore_mem>>) src(%dma_wait3A_400 : memref<128x16xf32, #tpu.memory_space<vmem>>) dst(%dma_wait3A_396 : memref<128x16xf32, #tpu.memory_space<hbm>>)
      tpu.yield
    }) : () -> ()
    %run_scoped3A_357 = arith.constant 0 : i32
    "tpu.region"() ({
      %run_scoped3A_376 = tpu.sem_alloc : memref<!tpu.dma_semaphore, #tpu.memory_space<semaphore_mem>>
      %dma_start3A_377 = arith.constant 0 : i32
      %dma_start3A_378 = arith.constant 0 : i32
      %dma_start3A_379 = tpu.memref_slice %arg15[%run_scoped3A_357, %dma_start3A_377, %dma_start3A_378] : memref<4x128x16xf32, #tpu.memory_space<vmem>> -> memref<1x128x16xf32, #tpu.memory_space<vmem>>
      %dma_start3A_380 = tpu.memref_squeeze %dma_start3A_379 : memref<1x128x16xf32, #tpu.memory_space<vmem>> -> memref<128x16xf32, #tpu.memory_space<vmem>>
      %dma_start3A_381 = arith.constant 0 : i32
      %dma_start3A_382 = tpu.memref_slice %arg9[%mul3A_356, %dma_start3A_381] : memref<16384x16xf32, #tpu.memory_space<hbm>> -> memref<128x16xf32, #tpu.memory_space<hbm>>
      %dma_start3A_383 = arith.constant 0 : i32
      %dma_start3A_384 = tpu.memref_slice %arg9[%mul3A_356, %dma_start3A_383] : memref<16384x16xf32, #tpu.memory_space<hbm>> -> memref<128x16xf32, #tpu.memory_space<hbm>>
      %dma_start3A_385 = arith.constant 0 : i32
      %dma_start3A_386 = arith.constant 0 : i32
      %dma_start3A_387 = tpu.memref_slice %arg15[%run_scoped3A_357, %dma_start3A_385, %dma_start3A_386] : memref<4x128x16xf32, #tpu.memory_space<vmem>> -> memref<1x128x16xf32, #tpu.memory_space<vmem>>
      %dma_start3A_388 = tpu.memref_squeeze %dma_start3A_387 : memref<1x128x16xf32, #tpu.memory_space<vmem>> -> memref<128x16xf32, #tpu.memory_space<vmem>>
      tpu.enqueue_dma source(%dma_start3A_388 : memref<128x16xf32, #tpu.memory_space<vmem>>) target(%dma_start3A_384 : memref<128x16xf32, #tpu.memory_space<hbm>>) target_semaphore(%run_scoped3A_376 : memref<!tpu.dma_semaphore, #tpu.memory_space<semaphore_mem>>)
      %dma_wait3A_389 = arith.constant 0 : i32
      %dma_wait3A_390 = arith.constant 0 : i32
      %dma_wait3A_391 = tpu.memref_slice %arg15[%run_scoped3A_357, %dma_wait3A_389, %dma_wait3A_390] : memref<4x128x16xf32, #tpu.memory_space<vmem>> -> memref<1x128x16xf32, #tpu.memory_space<vmem>>
      %dma_wait3A_392 = tpu.memref_squeeze %dma_wait3A_391 : memref<1x128x16xf32, #tpu.memory_space<vmem>> -> memref<128x16xf32, #tpu.memory_space<vmem>>
      %dma_wait3A_393 = arith.constant 0 : i32
      %dma_wait3A_394 = tpu.memref_slice %arg9[%mul3A_356, %dma_wait3A_393] : memref<16384x16xf32, #tpu.memory_space<hbm>> -> memref<128x16xf32, #tpu.memory_space<hbm>>
      %dma_wait3A_395 = arith.constant 0 : i32
      %dma_wait3A_396 = tpu.memref_slice %arg9[%mul3A_356, %dma_wait3A_395] : memref<16384x16xf32, #tpu.memory_space<hbm>> -> memref<128x16xf32, #tpu.memory_space<hbm>>
      %dma_wait3A_397 = arith.constant 0 : i32
      %dma_wait3A_398 = arith.constant 0 : i32
      %dma_wait3A_399 = tpu.memref_slice %arg15[%run_scoped3A_357, %dma_wait3A_397, %dma_wait3A_398] : memref<4x128x16xf32, #tpu.memory_space<vmem>> -> memref<1x128x16xf32, #tpu.memory_space<vmem>>
      %dma_wait3A_400 = tpu.memref_squeeze %dma_wait3A_399 : memref<1x128x16xf32, #tpu.memory_space<vmem>> -> memref<128x16xf32, #tpu.memory_space<vmem>>
      tpu.wait_dma2 semaphore(%run_scoped3A_376 : memref<!tpu.dma_semaphore, #tpu.memory_space<semaphore_mem>>) src(%dma_wait3A_400 : memref<128x16xf32, #tpu.memory_space<vmem>>) dst(%dma_wait3A_396 : memref<128x16xf32, #tpu.memory_space<hbm>>)
      tpu.yield
    }) : () -> ()
    %add3A_358 = arith.constant 1 : i32
    %add3A_359 = arith.addi %mul3A_2, %add3A_358 : i32
    %mul3A_360 = arith.constant 128 : i32
    %mul3A_361 = arith.muli %add3A_359, %mul3A_360 : i32
    %run_scoped3A_362 = arith.constant 1 : i32
    "tpu.region"() ({
      %run_scoped3A_376 = tpu.sem_alloc : memref<!tpu.dma_semaphore, #tpu.memory_space<semaphore_mem>>
      %dma_start3A_377 = arith.constant 0 : i32
      %dma_start3A_378 = arith.constant 0 : i32
      %dma_start3A_379 = tpu.memref_slice %arg14[%run_scoped3A_362, %dma_start3A_377, %dma_start3A_378] : memref<4x128x16xf32, #tpu.memory_space<vmem>> -> memref<1x128x16xf32, #tpu.memory_space<vmem>>
      %dma_start3A_380 = tpu.memref_squeeze %dma_start3A_379 : memref<1x128x16xf32, #tpu.memory_space<vmem>> -> memref<128x16xf32, #tpu.memory_space<vmem>>
      %dma_start3A_381 = arith.constant 0 : i32
      %dma_start3A_382 = tpu.memref_slice %arg8[%mul3A_361, %dma_start3A_381] : memref<16384x16xf32, #tpu.memory_space<hbm>> -> memref<128x16xf32, #tpu.memory_space<hbm>>
      %dma_start3A_383 = arith.constant 0 : i32
      %dma_start3A_384 = tpu.memref_slice %arg8[%mul3A_361, %dma_start3A_383] : memref<16384x16xf32, #tpu.memory_space<hbm>> -> memref<128x16xf32, #tpu.memory_space<hbm>>
      %dma_start3A_385 = arith.constant 0 : i32
      %dma_start3A_386 = arith.constant 0 : i32
      %dma_start3A_387 = tpu.memref_slice %arg14[%run_scoped3A_362, %dma_start3A_385, %dma_start3A_386] : memref<4x128x16xf32, #tpu.memory_space<vmem>> -> memref<1x128x16xf32, #tpu.memory_space<vmem>>
      %dma_start3A_388 = tpu.memref_squeeze %dma_start3A_387 : memref<1x128x16xf32, #tpu.memory_space<vmem>> -> memref<128x16xf32, #tpu.memory_space<vmem>>
      tpu.enqueue_dma source(%dma_start3A_388 : memref<128x16xf32, #tpu.memory_space<vmem>>) target(%dma_start3A_384 : memref<128x16xf32, #tpu.memory_space<hbm>>) target_semaphore(%run_scoped3A_376 : memref<!tpu.dma_semaphore, #tpu.memory_space<semaphore_mem>>)
      %dma_wait3A_389 = arith.constant 0 : i32
      %dma_wait3A_390 = arith.constant 0 : i32
      %dma_wait3A_391 = tpu.memref_slice %arg14[%run_scoped3A_362, %dma_wait3A_389, %dma_wait3A_390] : memref<4x128x16xf32, #tpu.memory_space<vmem>> -> memref<1x128x16xf32, #tpu.memory_space<vmem>>
      %dma_wait3A_392 = tpu.memref_squeeze %dma_wait3A_391 : memref<1x128x16xf32, #tpu.memory_space<vmem>> -> memref<128x16xf32, #tpu.memory_space<vmem>>
      %dma_wait3A_393 = arith.constant 0 : i32
      %dma_wait3A_394 = tpu.memref_slice %arg8[%mul3A_361, %dma_wait3A_393] : memref<16384x16xf32, #tpu.memory_space<hbm>> -> memref<128x16xf32, #tpu.memory_space<hbm>>
      %dma_wait3A_395 = arith.constant 0 : i32
      %dma_wait3A_396 = tpu.memref_slice %arg8[%mul3A_361, %dma_wait3A_395] : memref<16384x16xf32, #tpu.memory_space<hbm>> -> memref<128x16xf32, #tpu.memory_space<hbm>>
      %dma_wait3A_397 = arith.constant 0 : i32
      %dma_wait3A_398 = arith.constant 0 : i32
      %dma_wait3A_399 = tpu.memref_slice %arg14[%run_scoped3A_362, %dma_wait3A_397, %dma_wait3A_398] : memref<4x128x16xf32, #tpu.memory_space<vmem>> -> memref<1x128x16xf32, #tpu.memory_space<vmem>>
      %dma_wait3A_400 = tpu.memref_squeeze %dma_wait3A_399 : memref<1x128x16xf32, #tpu.memory_space<vmem>> -> memref<128x16xf32, #tpu.memory_space<vmem>>
      tpu.wait_dma2 semaphore(%run_scoped3A_376 : memref<!tpu.dma_semaphore, #tpu.memory_space<semaphore_mem>>) src(%dma_wait3A_400 : memref<128x16xf32, #tpu.memory_space<vmem>>) dst(%dma_wait3A_396 : memref<128x16xf32, #tpu.memory_space<hbm>>)
      tpu.yield
    }) : () -> ()
    %run_scoped3A_363 = arith.constant 1 : i32
    "tpu.region"() ({
      %run_scoped3A_376 = tpu.sem_alloc : memref<!tpu.dma_semaphore, #tpu.memory_space<semaphore_mem>>
      %dma_start3A_377 = arith.constant 0 : i32
      %dma_start3A_378 = arith.constant 0 : i32
      %dma_start3A_379 = tpu.memref_slice %arg15[%run_scoped3A_363, %dma_start3A_377, %dma_start3A_378] : memref<4x128x16xf32, #tpu.memory_space<vmem>> -> memref<1x128x16xf32, #tpu.memory_space<vmem>>
      %dma_start3A_380 = tpu.memref_squeeze %dma_start3A_379 : memref<1x128x16xf32, #tpu.memory_space<vmem>> -> memref<128x16xf32, #tpu.memory_space<vmem>>
      %dma_start3A_381 = arith.constant 0 : i32
      %dma_start3A_382 = tpu.memref_slice %arg9[%mul3A_361, %dma_start3A_381] : memref<16384x16xf32, #tpu.memory_space<hbm>> -> memref<128x16xf32, #tpu.memory_space<hbm>>
      %dma_start3A_383 = arith.constant 0 : i32
      %dma_start3A_384 = tpu.memref_slice %arg9[%mul3A_361, %dma_start3A_383] : memref<16384x16xf32, #tpu.memory_space<hbm>> -> memref<128x16xf32, #tpu.memory_space<hbm>>
      %dma_start3A_385 = arith.constant 0 : i32
      %dma_start3A_386 = arith.constant 0 : i32
      %dma_start3A_387 = tpu.memref_slice %arg15[%run_scoped3A_363, %dma_start3A_385, %dma_start3A_386] : memref<4x128x16xf32, #tpu.memory_space<vmem>> -> memref<1x128x16xf32, #tpu.memory_space<vmem>>
      %dma_start3A_388 = tpu.memref_squeeze %dma_start3A_387 : memref<1x128x16xf32, #tpu.memory_space<vmem>> -> memref<128x16xf32, #tpu.memory_space<vmem>>
      tpu.enqueue_dma source(%dma_start3A_388 : memref<128x16xf32, #tpu.memory_space<vmem>>) target(%dma_start3A_384 : memref<128x16xf32, #tpu.memory_space<hbm>>) target_semaphore(%run_scoped3A_376 : memref<!tpu.dma_semaphore, #tpu.memory_space<semaphore_mem>>)
      %dma_wait3A_389 = arith.constant 0 : i32
      %dma_wait3A_390 = arith.constant 0 : i32
      %dma_wait3A_391 = tpu.memref_slice %arg15[%run_scoped3A_363, %dma_wait3A_389, %dma_wait3A_390] : memref<4x128x16xf32, #tpu.memory_space<vmem>> -> memref<1x128x16xf32, #tpu.memory_space<vmem>>
      %dma_wait3A_392 = tpu.memref_squeeze %dma_wait3A_391 : memref<1x128x16xf32, #tpu.memory_space<vmem>> -> memref<128x16xf32, #tpu.memory_space<vmem>>
      %dma_wait3A_393 = arith.constant 0 : i32
      %dma_wait3A_394 = tpu.memref_slice %arg9[%mul3A_361, %dma_wait3A_393] : memref<16384x16xf32, #tpu.memory_space<hbm>> -> memref<128x16xf32, #tpu.memory_space<hbm>>
      %dma_wait3A_395 = arith.constant 0 : i32
      %dma_wait3A_396 = tpu.memref_slice %arg9[%mul3A_361, %dma_wait3A_395] : memref<16384x16xf32, #tpu.memory_space<hbm>> -> memref<128x16xf32, #tpu.memory_space<hbm>>
      %dma_wait3A_397 = arith.constant 0 : i32
      %dma_wait3A_398 = arith.constant 0 : i32
      %dma_wait3A_399 = tpu.memref_slice %arg15[%run_scoped3A_363, %dma_wait3A_397, %dma_wait3A_398] : memref<4x128x16xf32, #tpu.memory_space<vmem>> -> memref<1x128x16xf32, #tpu.memory_space<vmem>>
      %dma_wait3A_400 = tpu.memref_squeeze %dma_wait3A_399 : memref<1x128x16xf32, #tpu.memory_space<vmem>> -> memref<128x16xf32, #tpu.memory_space<vmem>>
      tpu.wait_dma2 semaphore(%run_scoped3A_376 : memref<!tpu.dma_semaphore, #tpu.memory_space<semaphore_mem>>) src(%dma_wait3A_400 : memref<128x16xf32, #tpu.memory_space<vmem>>) dst(%dma_wait3A_396 : memref<128x16xf32, #tpu.memory_space<hbm>>)
      tpu.yield
    }) : () -> ()
    %add3A_364 = arith.constant 2 : i32
    %add3A_365 = arith.addi %mul3A_2, %add3A_364 : i32
    %mul3A_366 = arith.constant 128 : i32
    %mul3A_367 = arith.muli %add3A_365, %mul3A_366 : i32
    %run_scoped3A_368 = arith.constant 2 : i32
    "tpu.region"() ({
      %run_scoped3A_376 = tpu.sem_alloc : memref<!tpu.dma_semaphore, #tpu.memory_space<semaphore_mem>>
      %dma_start3A_377 = arith.constant 0 : i32
      %dma_start3A_378 = arith.constant 0 : i32
      %dma_start3A_379 = tpu.memref_slice %arg14[%run_scoped3A_368, %dma_start3A_377, %dma_start3A_378] : memref<4x128x16xf32, #tpu.memory_space<vmem>> -> memref<1x128x16xf32, #tpu.memory_space<vmem>>
      %dma_start3A_380 = tpu.memref_squeeze %dma_start3A_379 : memref<1x128x16xf32, #tpu.memory_space<vmem>> -> memref<128x16xf32, #tpu.memory_space<vmem>>
      %dma_start3A_381 = arith.constant 0 : i32
      %dma_start3A_382 = tpu.memref_slice %arg8[%mul3A_367, %dma_start3A_381] : memref<16384x16xf32, #tpu.memory_space<hbm>> -> memref<128x16xf32, #tpu.memory_space<hbm>>
      %dma_start3A_383 = arith.constant 0 : i32
      %dma_start3A_384 = tpu.memref_slice %arg8[%mul3A_367, %dma_start3A_383] : memref<16384x16xf32, #tpu.memory_space<hbm>> -> memref<128x16xf32, #tpu.memory_space<hbm>>
      %dma_start3A_385 = arith.constant 0 : i32
      %dma_start3A_386 = arith.constant 0 : i32
      %dma_start3A_387 = tpu.memref_slice %arg14[%run_scoped3A_368, %dma_start3A_385, %dma_start3A_386] : memref<4x128x16xf32, #tpu.memory_space<vmem>> -> memref<1x128x16xf32, #tpu.memory_space<vmem>>
      %dma_start3A_388 = tpu.memref_squeeze %dma_start3A_387 : memref<1x128x16xf32, #tpu.memory_space<vmem>> -> memref<128x16xf32, #tpu.memory_space<vmem>>
      tpu.enqueue_dma source(%dma_start3A_388 : memref<128x16xf32, #tpu.memory_space<vmem>>) target(%dma_start3A_384 : memref<128x16xf32, #tpu.memory_space<hbm>>) target_semaphore(%run_scoped3A_376 : memref<!tpu.dma_semaphore, #tpu.memory_space<semaphore_mem>>)
      %dma_wait3A_389 = arith.constant 0 : i32
      %dma_wait3A_390 = arith.constant 0 : i32
      %dma_wait3A_391 = tpu.memref_slice %arg14[%run_scoped3A_368, %dma_wait3A_389, %dma_wait3A_390] : memref<4x128x16xf32, #tpu.memory_space<vmem>> -> memref<1x128x16xf32, #tpu.memory_space<vmem>>
      %dma_wait3A_392 = tpu.memref_squeeze %dma_wait3A_391 : memref<1x128x16xf32, #tpu.memory_space<vmem>> -> memref<128x16xf32, #tpu.memory_space<vmem>>
      %dma_wait3A_393 = arith.constant 0 : i32
      %dma_wait3A_394 = tpu.memref_slice %arg8[%mul3A_367, %dma_wait3A_393] : memref<16384x16xf32, #tpu.memory_space<hbm>> -> memref<128x16xf32, #tpu.memory_space<hbm>>
      %dma_wait3A_395 = arith.constant 0 : i32
      %dma_wait3A_396 = tpu.memref_slice %arg8[%mul3A_367, %dma_wait3A_395] : memref<16384x16xf32, #tpu.memory_space<hbm>> -> memref<128x16xf32, #tpu.memory_space<hbm>>
      %dma_wait3A_397 = arith.constant 0 : i32
      %dma_wait3A_398 = arith.constant 0 : i32
      %dma_wait3A_399 = tpu.memref_slice %arg14[%run_scoped3A_368, %dma_wait3A_397, %dma_wait3A_398] : memref<4x128x16xf32, #tpu.memory_space<vmem>> -> memref<1x128x16xf32, #tpu.memory_space<vmem>>
      %dma_wait3A_400 = tpu.memref_squeeze %dma_wait3A_399 : memref<1x128x16xf32, #tpu.memory_space<vmem>> -> memref<128x16xf32, #tpu.memory_space<vmem>>
      tpu.wait_dma2 semaphore(%run_scoped3A_376 : memref<!tpu.dma_semaphore, #tpu.memory_space<semaphore_mem>>) src(%dma_wait3A_400 : memref<128x16xf32, #tpu.memory_space<vmem>>) dst(%dma_wait3A_396 : memref<128x16xf32, #tpu.memory_space<hbm>>)
      tpu.yield
    }) : () -> ()
    %run_scoped3A_369 = arith.constant 2 : i32
    "tpu.region"() ({
      %run_scoped3A_376 = tpu.sem_alloc : memref<!tpu.dma_semaphore, #tpu.memory_space<semaphore_mem>>
      %dma_start3A_377 = arith.constant 0 : i32
      %dma_start3A_378 = arith.constant 0 : i32
      %dma_start3A_379 = tpu.memref_slice %arg15[%run_scoped3A_369, %dma_start3A_377, %dma_start3A_378] : memref<4x128x16xf32, #tpu.memory_space<vmem>> -> memref<1x128x16xf32, #tpu.memory_space<vmem>>
      %dma_start3A_380 = tpu.memref_squeeze %dma_start3A_379 : memref<1x128x16xf32, #tpu.memory_space<vmem>> -> memref<128x16xf32, #tpu.memory_space<vmem>>
      %dma_start3A_381 = arith.constant 0 : i32
      %dma_start3A_382 = tpu.memref_slice %arg9[%mul3A_367, %dma_start3A_381] : memref<16384x16xf32, #tpu.memory_space<hbm>> -> memref<128x16xf32, #tpu.memory_space<hbm>>
      %dma_start3A_383 = arith.constant 0 : i32
      %dma_start3A_384 = tpu.memref_slice %arg9[%mul3A_367, %dma_start3A_383] : memref<16384x16xf32, #tpu.memory_space<hbm>> -> memref<128x16xf32, #tpu.memory_space<hbm>>
      %dma_start3A_385 = arith.constant 0 : i32
      %dma_start3A_386 = arith.constant 0 : i32
      %dma_start3A_387 = tpu.memref_slice %arg15[%run_scoped3A_369, %dma_start3A_385, %dma_start3A_386] : memref<4x128x16xf32, #tpu.memory_space<vmem>> -> memref<1x128x16xf32, #tpu.memory_space<vmem>>
      %dma_start3A_388 = tpu.memref_squeeze %dma_start3A_387 : memref<1x128x16xf32, #tpu.memory_space<vmem>> -> memref<128x16xf32, #tpu.memory_space<vmem>>
      tpu.enqueue_dma source(%dma_start3A_388 : memref<128x16xf32, #tpu.memory_space<vmem>>) target(%dma_start3A_384 : memref<128x16xf32, #tpu.memory_space<hbm>>) target_semaphore(%run_scoped3A_376 : memref<!tpu.dma_semaphore, #tpu.memory_space<semaphore_mem>>)
      %dma_wait3A_389 = arith.constant 0 : i32
      %dma_wait3A_390 = arith.constant 0 : i32
      %dma_wait3A_391 = tpu.memref_slice %arg15[%run_scoped3A_369, %dma_wait3A_389, %dma_wait3A_390] : memref<4x128x16xf32, #tpu.memory_space<vmem>> -> memref<1x128x16xf32, #tpu.memory_space<vmem>>
      %dma_wait3A_392 = tpu.memref_squeeze %dma_wait3A_391 : memref<1x128x16xf32, #tpu.memory_space<vmem>> -> memref<128x16xf32, #tpu.memory_space<vmem>>
      %dma_wait3A_393 = arith.constant 0 : i32
      %dma_wait3A_394 = tpu.memref_slice %arg9[%mul3A_367, %dma_wait3A_393] : memref<16384x16xf32, #tpu.memory_space<hbm>> -> memref<128x16xf32, #tpu.memory_space<hbm>>
      %dma_wait3A_395 = arith.constant 0 : i32
      %dma_wait3A_396 = tpu.memref_slice %arg9[%mul3A_367, %dma_wait3A_395] : memref<16384x16xf32, #tpu.memory_space<hbm>> -> memref<128x16xf32, #tpu.memory_space<hbm>>
      %dma_wait3A_397 = arith.constant 0 : i32
      %dma_wait3A_398 = arith.constant 0 : i32
      %dma_wait3A_399 = tpu.memref_slice %arg15[%run_scoped3A_369, %dma_wait3A_397, %dma_wait3A_398] : memref<4x128x16xf32, #tpu.memory_space<vmem>> -> memref<1x128x16xf32, #tpu.memory_space<vmem>>
      %dma_wait3A_400 = tpu.memref_squeeze %dma_wait3A_399 : memref<1x128x16xf32, #tpu.memory_space<vmem>> -> memref<128x16xf32, #tpu.memory_space<vmem>>
      tpu.wait_dma2 semaphore(%run_scoped3A_376 : memref<!tpu.dma_semaphore, #tpu.memory_space<semaphore_mem>>) src(%dma_wait3A_400 : memref<128x16xf32, #tpu.memory_space<vmem>>) dst(%dma_wait3A_396 : memref<128x16xf32, #tpu.memory_space<hbm>>)
      tpu.yield
    }) : () -> ()
    %add3A_370 = arith.constant 3 : i32
    %add3A_371 = arith.addi %mul3A_2, %add3A_370 : i32
    %mul3A_372 = arith.constant 128 : i32
    %mul3A_373 = arith.muli %add3A_371, %mul3A_372 : i32
    %run_scoped3A_374 = arith.constant 3 : i32
    "tpu.region"() ({
      %run_scoped3A_376 = tpu.sem_alloc : memref<!tpu.dma_semaphore, #tpu.memory_space<semaphore_mem>>
      %dma_start3A_377 = arith.constant 0 : i32
      %dma_start3A_378 = arith.constant 0 : i32
      %dma_start3A_379 = tpu.memref_slice %arg14[%run_scoped3A_374, %dma_start3A_377, %dma_start3A_378] : memref<4x128x16xf32, #tpu.memory_space<vmem>> -> memref<1x128x16xf32, #tpu.memory_space<vmem>>
      %dma_start3A_380 = tpu.memref_squeeze %dma_start3A_379 : memref<1x128x16xf32, #tpu.memory_space<vmem>> -> memref<128x16xf32, #tpu.memory_space<vmem>>
      %dma_start3A_381 = arith.constant 0 : i32
      %dma_start3A_382 = tpu.memref_slice %arg8[%mul3A_373, %dma_start3A_381] : memref<16384x16xf32, #tpu.memory_space<hbm>> -> memref<128x16xf32, #tpu.memory_space<hbm>>
      %dma_start3A_383 = arith.constant 0 : i32
      %dma_start3A_384 = tpu.memref_slice %arg8[%mul3A_373, %dma_start3A_383] : memref<16384x16xf32, #tpu.memory_space<hbm>> -> memref<128x16xf32, #tpu.memory_space<hbm>>
      %dma_start3A_385 = arith.constant 0 : i32
      %dma_start3A_386 = arith.constant 0 : i32
      %dma_start3A_387 = tpu.memref_slice %arg14[%run_scoped3A_374, %dma_start3A_385, %dma_start3A_386] : memref<4x128x16xf32, #tpu.memory_space<vmem>> -> memref<1x128x16xf32, #tpu.memory_space<vmem>>
      %dma_start3A_388 = tpu.memref_squeeze %dma_start3A_387 : memref<1x128x16xf32, #tpu.memory_space<vmem>> -> memref<128x16xf32, #tpu.memory_space<vmem>>
      tpu.enqueue_dma source(%dma_start3A_388 : memref<128x16xf32, #tpu.memory_space<vmem>>) target(%dma_start3A_384 : memref<128x16xf32, #tpu.memory_space<hbm>>) target_semaphore(%run_scoped3A_376 : memref<!tpu.dma_semaphore, #tpu.memory_space<semaphore_mem>>)
      %dma_wait3A_389 = arith.constant 0 : i32
      %dma_wait3A_390 = arith.constant 0 : i32
      %dma_wait3A_391 = tpu.memref_slice %arg14[%run_scoped3A_374, %dma_wait3A_389, %dma_wait3A_390] : memref<4x128x16xf32, #tpu.memory_space<vmem>> -> memref<1x128x16xf32, #tpu.memory_space<vmem>>
      %dma_wait3A_392 = tpu.memref_squeeze %dma_wait3A_391 : memref<1x128x16xf32, #tpu.memory_space<vmem>> -> memref<128x16xf32, #tpu.memory_space<vmem>>
      %dma_wait3A_393 = arith.constant 0 : i32
      %dma_wait3A_394 = tpu.memref_slice %arg8[%mul3A_373, %dma_wait3A_393] : memref<16384x16xf32, #tpu.memory_space<hbm>> -> memref<128x16xf32, #tpu.memory_space<hbm>>
      %dma_wait3A_395 = arith.constant 0 : i32
      %dma_wait3A_396 = tpu.memref_slice %arg8[%mul3A_373, %dma_wait3A_395] : memref<16384x16xf32, #tpu.memory_space<hbm>> -> memref<128x16xf32, #tpu.memory_space<hbm>>
      %dma_wait3A_397 = arith.constant 0 : i32
      %dma_wait3A_398 = arith.constant 0 : i32
      %dma_wait3A_399 = tpu.memref_slice %arg14[%run_scoped3A_374, %dma_wait3A_397, %dma_wait3A_398] : memref<4x128x16xf32, #tpu.memory_space<vmem>> -> memref<1x128x16xf32, #tpu.memory_space<vmem>>
      %dma_wait3A_400 = tpu.memref_squeeze %dma_wait3A_399 : memref<1x128x16xf32, #tpu.memory_space<vmem>> -> memref<128x16xf32, #tpu.memory_space<vmem>>
      tpu.wait_dma2 semaphore(%run_scoped3A_376 : memref<!tpu.dma_semaphore, #tpu.memory_space<semaphore_mem>>) src(%dma_wait3A_400 : memref<128x16xf32, #tpu.memory_space<vmem>>) dst(%dma_wait3A_396 : memref<128x16xf32, #tpu.memory_space<hbm>>)
      tpu.yield
    }) : () -> ()
    %run_scoped3A_375 = arith.constant 3 : i32
    "tpu.region"() ({
      %run_scoped3A_376 = tpu.sem_alloc : memref<!tpu.dma_semaphore, #tpu.memory_space<semaphore_mem>>
      %dma_start3A_377 = arith.constant 0 : i32
      %dma_start3A_378 = arith.constant 0 : i32
      %dma_start3A_379 = tpu.memref_slice %arg15[%run_scoped3A_375, %dma_start3A_377, %dma_start3A_378] : memref<4x128x16xf32, #tpu.memory_space<vmem>> -> memref<1x128x16xf32, #tpu.memory_space<vmem>>
      %dma_start3A_380 = tpu.memref_squeeze %dma_start3A_379 : memref<1x128x16xf32, #tpu.memory_space<vmem>> -> memref<128x16xf32, #tpu.memory_space<vmem>>
      %dma_start3A_381 = arith.constant 0 : i32
      %dma_start3A_382 = tpu.memref_slice %arg9[%mul3A_373, %dma_start3A_381] : memref<16384x16xf32, #tpu.memory_space<hbm>> -> memref<128x16xf32, #tpu.memory_space<hbm>>
      %dma_start3A_383 = arith.constant 0 : i32
      %dma_start3A_384 = tpu.memref_slice %arg9[%mul3A_373, %dma_start3A_383] : memref<16384x16xf32, #tpu.memory_space<hbm>> -> memref<128x16xf32, #tpu.memory_space<hbm>>
      %dma_start3A_385 = arith.constant 0 : i32
      %dma_start3A_386 = arith.constant 0 : i32
      %dma_start3A_387 = tpu.memref_slice %arg15[%run_scoped3A_375, %dma_start3A_385, %dma_start3A_386] : memref<4x128x16xf32, #tpu.memory_space<vmem>> -> memref<1x128x16xf32, #tpu.memory_space<vmem>>
      %dma_start3A_388 = tpu.memref_squeeze %dma_start3A_387 : memref<1x128x16xf32, #tpu.memory_space<vmem>> -> memref<128x16xf32, #tpu.memory_space<vmem>>
      tpu.enqueue_dma source(%dma_start3A_388 : memref<128x16xf32, #tpu.memory_space<vmem>>) target(%dma_start3A_384 : memref<128x16xf32, #tpu.memory_space<hbm>>) target_semaphore(%run_scoped3A_376 : memref<!tpu.dma_semaphore, #tpu.memory_space<semaphore_mem>>)
      %dma_wait3A_389 = arith.constant 0 : i32
      %dma_wait3A_390 = arith.constant 0 : i32
      %dma_wait3A_391 = tpu.memref_slice %arg15[%run_scoped3A_375, %dma_wait3A_389, %dma_wait3A_390] : memref<4x128x16xf32, #tpu.memory_space<vmem>> -> memref<1x128x16xf32, #tpu.memory_space<vmem>>
      %dma_wait3A_392 = tpu.memref_squeeze %dma_wait3A_391 : memref<1x128x16xf32, #tpu.memory_space<vmem>> -> memref<128x16xf32, #tpu.memory_space<vmem>>
      %dma_wait3A_393 = arith.constant 0 : i32
      %dma_wait3A_394 = tpu.memref_slice %arg9[%mul3A_373, %dma_wait3A_393] : memref<16384x16xf32, #tpu.memory_space<hbm>> -> memref<128x16xf32, #tpu.memory_space<hbm>>
      %dma_wait3A_395 = arith.constant 0 : i32
      %dma_wait3A_396 = tpu.memref_slice %arg9[%mul3A_373, %dma_wait3A_395] : memref<16384x16xf32, #tpu.memory_space<hbm>> -> memref<128x16xf32, #tpu.memory_space<hbm>>
      %dma_wait3A_397 = arith.constant 0 : i32
      %dma_wait3A_398 = arith.constant 0 : i32
      %dma_wait3A_399 = tpu.memref_slice %arg15[%run_scoped3A_375, %dma_wait3A_397, %dma_wait3A_398] : memref<4x128x16xf32, #tpu.memory_space<vmem>> -> memref<1x128x16xf32, #tpu.memory_space<vmem>>
      %dma_wait3A_400 = tpu.memref_squeeze %dma_wait3A_399 : memref<1x128x16xf32, #tpu.memory_space<vmem>> -> memref<128x16xf32, #tpu.memory_space<vmem>>
      tpu.wait_dma2 semaphore(%run_scoped3A_376 : memref<!tpu.dma_semaphore, #tpu.memory_space<semaphore_mem>>) src(%dma_wait3A_400 : memref<128x16xf32, #tpu.memory_space<vmem>>) dst(%dma_wait3A_396 : memref<128x16xf32, #tpu.memory_space<hbm>>)
      tpu.yield
    }) : () -> ()
    "tpu.region"() ({
      %run_scoped3A_376 = tpu.sem_alloc : memref<!tpu.dma_semaphore, #tpu.memory_space<semaphore_mem>>
      %dma_start3A_377 = arith.constant 0 : i32
      %dma_start3A_378 = tpu.memref_slice %arg10[%mul3A_2, %dma_start3A_377] : memref<128x128xf32, #tpu.memory_space<hbm>> -> memref<4x128xf32, #tpu.memory_space<hbm>>
      %dma_start3A_379 = arith.constant 0 : i32
      %dma_start3A_380 = tpu.memref_slice %arg10[%mul3A_2, %dma_start3A_379] : memref<128x128xf32, #tpu.memory_space<hbm>> -> memref<4x128xf32, #tpu.memory_space<hbm>>
      tpu.enqueue_dma source(%arg16 : memref<4x128xf32, #tpu.memory_space<vmem>>) target(%dma_start3A_380 : memref<4x128xf32, #tpu.memory_space<hbm>>) target_semaphore(%run_scoped3A_376 : memref<!tpu.dma_semaphore, #tpu.memory_space<semaphore_mem>>)
      %dma_wait3A_381 = arith.constant 0 : i32
      %dma_wait3A_382 = tpu.memref_slice %arg10[%mul3A_2, %dma_wait3A_381] : memref<128x128xf32, #tpu.memory_space<hbm>> -> memref<4x128xf32, #tpu.memory_space<hbm>>
      %dma_wait3A_383 = arith.constant 0 : i32
      %dma_wait3A_384 = tpu.memref_slice %arg10[%mul3A_2, %dma_wait3A_383] : memref<128x128xf32, #tpu.memory_space<hbm>> -> memref<4x128xf32, #tpu.memory_space<hbm>>
      tpu.wait_dma2 semaphore(%run_scoped3A_376 : memref<!tpu.dma_semaphore, #tpu.memory_space<semaphore_mem>>) src(%arg16 : memref<4x128xf32, #tpu.memory_space<vmem>>) dst(%dma_wait3A_384 : memref<4x128xf32, #tpu.memory_space<hbm>>)
      tpu.yield
    }) : () -> ()
    "tpu.region"() ({
      %run_scoped3A_376 = tpu.sem_alloc : memref<!tpu.dma_semaphore, #tpu.memory_space<semaphore_mem>>
      %dma_start3A_377 = arith.constant 0 : i32
      %dma_start3A_378 = tpu.memref_slice %arg11[%mul3A_2, %dma_start3A_377] : memref<128x128xf32, #tpu.memory_space<hbm>> -> memref<4x128xf32, #tpu.memory_space<hbm>>
      %dma_start3A_379 = arith.constant 0 : i32
      %dma_start3A_380 = tpu.memref_slice %arg11[%mul3A_2, %dma_start3A_379] : memref<128x128xf32, #tpu.memory_space<hbm>> -> memref<4x128xf32, #tpu.memory_space<hbm>>
      tpu.enqueue_dma source(%arg17 : memref<4x128xf32, #tpu.memory_space<vmem>>) target(%dma_start3A_380 : memref<4x128xf32, #tpu.memory_space<hbm>>) target_semaphore(%run_scoped3A_376 : memref<!tpu.dma_semaphore, #tpu.memory_space<semaphore_mem>>)
      %dma_wait3A_381 = arith.constant 0 : i32
      %dma_wait3A_382 = tpu.memref_slice %arg11[%mul3A_2, %dma_wait3A_381] : memref<128x128xf32, #tpu.memory_space<hbm>> -> memref<4x128xf32, #tpu.memory_space<hbm>>
      %dma_wait3A_383 = arith.constant 0 : i32
      %dma_wait3A_384 = tpu.memref_slice %arg11[%mul3A_2, %dma_wait3A_383] : memref<128x128xf32, #tpu.memory_space<hbm>> -> memref<4x128xf32, #tpu.memory_space<hbm>>
      tpu.wait_dma2 semaphore(%run_scoped3A_376 : memref<!tpu.dma_semaphore, #tpu.memory_space<semaphore_mem>>) src(%arg17 : memref<4x128xf32, #tpu.memory_space<vmem>>) dst(%dma_wait3A_384 : memref<4x128xf32, #tpu.memory_space<hbm>>)
      tpu.yield
    }) : () -> ()
    return
  }
}

module attributes {stable_mosaic.version = 14 : i64} {
  func.func @_tc_body(%arg0: i32, %arg1: memref<2048x16xf32, #tpu.memory_space<vmem>>, %arg2: memref<2048x16xf32, #tpu.memory_space<vmem>>, %arg3: memref<2048x1xf32, #tpu.memory_space<vmem>>, %arg4: memref<2048x1xf32, #tpu.memory_space<vmem>>, %arg5: memref<32x64xf32, #tpu.memory_space<vmem>>, %arg6: memref<64x32xf32, #tpu.memory_space<vmem>>, %arg7: memref<1x32xf32, #tpu.memory_space<vmem>>, %arg8: memref<1x64xf32, #tpu.memory_space<vmem>>, %arg9: memref<1x32xf32, #tpu.memory_space<vmem>>, %arg10: memref<1x1xf32, #tpu.memory_space<vmem>>, %arg11: memref<2048x1xf32, #tpu.memory_space<vmem>>) attributes {dimension_semantics = [#tpu.dimension_semantics<arbitrary>], iteration_bounds = array<i64: 8>, scalar_prefetch = 0 : i64, scratch_operands = 0 : i64, tpu.core_type = #tpu.core_type<tc>, window_params = [{transform_indices = @transform_0, window_bounds = array<i64: 2048, 16>}, {transform_indices = @transform_1, window_bounds = array<i64: 2048, 16>}, {transform_indices = @transform_2, window_bounds = array<i64: 2048, 1>}, {transform_indices = @transform_3, window_bounds = array<i64: 2048, 1>}, {pipeline_mode = #tpu.pipeline_mode<synchronous>, transform_indices = @transform_4, window_bounds = array<i64: 32, 64>}, {pipeline_mode = #tpu.pipeline_mode<synchronous>, transform_indices = @transform_5, window_bounds = array<i64: 64, 32>}, {pipeline_mode = #tpu.pipeline_mode<synchronous>, transform_indices = @transform_6, window_bounds = array<i64: 1, 32>}, {pipeline_mode = #tpu.pipeline_mode<synchronous>, transform_indices = @transform_7, window_bounds = array<i64: 1, 64>}, {pipeline_mode = #tpu.pipeline_mode<synchronous>, transform_indices = @transform_8, window_bounds = array<i64: 1, 32>}, {pipeline_mode = #tpu.pipeline_mode<synchronous>, transform_indices = @transform_9, window_bounds = array<i64: 1, 1>}, {transform_indices = @transform_10, window_bounds = array<i64: 2048, 1>}]} {
    %get3A = arith.constant 0 : index
    %get3A_0 = arith.constant 0 : index
    %get3A_1 = vector.load %arg1[%get3A, %get3A_0] : memref<2048x16xf32, #tpu.memory_space<vmem>>, vector<2048x16xf32>
    %get3A_2 = arith.constant 0 : index
    %get3A_3 = arith.constant 0 : index
    %get3A_4 = vector.load %arg2[%get3A_2, %get3A_3] : memref<2048x16xf32, #tpu.memory_space<vmem>>, vector<2048x16xf32>
    %reduce_sum3A = arith.constant dense<0.000000e+00> : vector<2048xf32>
    %reduce_sum3A_5 = vector.multi_reduction <add>, %get3A_1, %reduce_sum3A [1] : vector<2048x16xf32> to vector<2048xf32>
    %broadcast_in_dim3A = vector.shape_cast %reduce_sum3A_5 : vector<2048xf32> to vector<2048x1xf32>
    %reduce_sum3A_6 = arith.constant dense<0.000000e+00> : vector<2048xf32>
    %reduce_sum3A_7 = vector.multi_reduction <add>, %get3A_4, %reduce_sum3A_6 [1] : vector<2048x16xf32> to vector<2048xf32>
    %broadcast_in_dim3A_8 = vector.shape_cast %reduce_sum3A_7 : vector<2048xf32> to vector<2048x1xf32>
    %add3A = arith.addf %broadcast_in_dim3A, %broadcast_in_dim3A_8 : vector<2048x1xf32>
    %mul3A = arith.mulf %get3A_1, %get3A_1 : vector<2048x16xf32>
    %reduce_sum3A_9 = arith.constant dense<0.000000e+00> : vector<2048xf32>
    %reduce_sum3A_10 = vector.multi_reduction <add>, %mul3A, %reduce_sum3A_9 [1] : vector<2048x16xf32> to vector<2048xf32>
    %broadcast_in_dim3A_11 = vector.shape_cast %reduce_sum3A_10 : vector<2048xf32> to vector<2048x1xf32>
    %mul3A_12 = arith.mulf %get3A_4, %get3A_4 : vector<2048x16xf32>
    %reduce_sum3A_13 = arith.constant dense<0.000000e+00> : vector<2048xf32>
    %reduce_sum3A_14 = vector.multi_reduction <add>, %mul3A_12, %reduce_sum3A_13 [1] : vector<2048x16xf32> to vector<2048xf32>
    %broadcast_in_dim3A_15 = vector.shape_cast %reduce_sum3A_14 : vector<2048xf32> to vector<2048x1xf32>
    %add3A_16 = arith.addf %broadcast_in_dim3A_11, %broadcast_in_dim3A_15 : vector<2048x1xf32>
    %mul3A_17 = arith.mulf %add3A, %add3A : vector<2048x1xf32>
    %sub3A = arith.subf %mul3A_17, %add3A_16 : vector<2048x1xf32>
    %mul3A_18 = arith.constant 5.000000e-01 : f32
    %mul3A_19 = vector.broadcast %mul3A_18 : f32 to vector<2048x1xf32>
    %mul3A_20 = arith.mulf %mul3A_19, %sub3A : vector<2048x1xf32>
    %get3A_21 = arith.constant 0 : index
    %get3A_22 = arith.constant 0 : index
    %get3A_23 = vector.load %arg5[%get3A_21, %get3A_22] : memref<32x64xf32, #tpu.memory_space<vmem>>, vector<32x64xf32>
    %slice3A = vector.extract_strided_slice %get3A_23 {offsets = [0, 0], sizes = [16, 64], strides = [1, 1]} : vector<32x64xf32> to vector<16x64xf32>
    %dot_general3A = arith.constant dense<0.000000e+00> : vector<2048x64xf32>
    %dot_general3A_24 = tpu.matmul %get3A_1, %slice3A, %dot_general3A {dimension_numbers = #tpu.dot_dimension_numbers<[1], [0], [0], [1], [0, 0, 1, 1], [], []>, transpose_lhs_hint = false} : vector<2048x16xf32>, vector<16x64xf32>, vector<2048x64xf32> -> vector<2048x64xf32>
    %slice3A_25 = vector.extract_strided_slice %get3A_23 {offsets = [16, 0], sizes = [16, 64], strides = [1, 1]} : vector<32x64xf32> to vector<16x64xf32>
    %dot_general3A_26 = arith.constant dense<0.000000e+00> : vector<2048x64xf32>
    %dot_general3A_27 = tpu.matmul %get3A_4, %slice3A_25, %dot_general3A_26 {dimension_numbers = #tpu.dot_dimension_numbers<[1], [0], [0], [1], [0, 0, 1, 1], [], []>, transpose_lhs_hint = false} : vector<2048x16xf32>, vector<16x64xf32>, vector<2048x64xf32> -> vector<2048x64xf32>
    %add3A_28 = arith.addf %dot_general3A_24, %dot_general3A_27 : vector<2048x64xf32>
    %get3A_29 = arith.constant 0 : index
    %get3A_30 = arith.constant 0 : index
    %get3A_31 = vector.load %arg8[%get3A_29, %get3A_30] : memref<1x64xf32, #tpu.memory_space<vmem>>, vector<1x64xf32>
    %add3A_32 = vector.broadcast %get3A_31 : vector<1x64xf32> to vector<2048x64xf32>
    %add3A_33 = arith.addf %add3A_28, %add3A_32 : vector<2048x64xf32>
    %max3A = arith.constant 0.000000e+00 : f32
    %max3A_34 = vector.broadcast %max3A : f32 to vector<2048x64xf32>
    %max3A_35 = arith.maximumf %add3A_33, %max3A_34 : vector<2048x64xf32>
    %get3A_36 = arith.constant 0 : index
    %get3A_37 = arith.constant 0 : index
    %get3A_38 = vector.load %arg6[%get3A_36, %get3A_37] : memref<64x32xf32, #tpu.memory_space<vmem>>, vector<64x32xf32>
    %dot_general3A_39 = arith.constant dense<0.000000e+00> : vector<2048x32xf32>
    %dot_general3A_40 = tpu.matmul %max3A_35, %get3A_38, %dot_general3A_39 {dimension_numbers = #tpu.dot_dimension_numbers<[1], [0], [0], [1], [0, 0, 1, 1], [], []>, transpose_lhs_hint = false} : vector<2048x64xf32>, vector<64x32xf32>, vector<2048x32xf32> -> vector<2048x32xf32>
    %get3A_41 = arith.constant 0 : index
    %get3A_42 = arith.constant 0 : index
    %get3A_43 = vector.load %arg9[%get3A_41, %get3A_42] : memref<1x32xf32, #tpu.memory_space<vmem>>, vector<1x32xf32>
    %add3A_44 = vector.broadcast %get3A_43 : vector<1x32xf32> to vector<2048x32xf32>
    %add3A_45 = arith.addf %dot_general3A_40, %add3A_44 : vector<2048x32xf32>
    %max3A_46 = arith.constant 0.000000e+00 : f32
    %max3A_47 = vector.broadcast %max3A_46 : f32 to vector<2048x32xf32>
    %max3A_48 = arith.maximumf %add3A_45, %max3A_47 : vector<2048x32xf32>
    %get3A_49 = arith.constant 0 : index
    %get3A_50 = arith.constant 0 : index
    %get3A_51 = vector.load %arg7[%get3A_49, %get3A_50] : memref<1x32xf32, #tpu.memory_space<vmem>>, vector<1x32xf32>
    %mul3A_52 = vector.broadcast %get3A_51 : vector<1x32xf32> to vector<2048x32xf32>
    %mul3A_53 = arith.mulf %max3A_48, %mul3A_52 : vector<2048x32xf32>
    %reduce_sum3A_54 = arith.constant dense<0.000000e+00> : vector<2048xf32>
    %reduce_sum3A_55 = vector.multi_reduction <add>, %mul3A_53, %reduce_sum3A_54 [1] : vector<2048x32xf32> to vector<2048xf32>
    %broadcast_in_dim3A_56 = vector.shape_cast %reduce_sum3A_55 : vector<2048xf32> to vector<2048x1xf32>
    %get3A_57 = arith.constant 0 : index
    %get3A_58 = arith.constant 0 : index
    %get3A_59 = vector.load %arg3[%get3A_57, %get3A_58] : memref<2048x1xf32, #tpu.memory_space<vmem>>, vector<2048x1xf32>
    %get3A_60 = arith.constant 0 : index
    %get3A_61 = arith.constant 0 : index
    %get3A_62 = vector.load %arg4[%get3A_60, %get3A_61] : memref<2048x1xf32, #tpu.memory_space<vmem>>, vector<2048x1xf32>
    %add3A_63 = arith.addf %get3A_59, %get3A_62 : vector<2048x1xf32>
    %add3A_64 = arith.addf %add3A_63, %mul3A_20 : vector<2048x1xf32>
    %add3A_65 = arith.addf %add3A_64, %broadcast_in_dim3A_56 : vector<2048x1xf32>
    %get3A_66 = arith.constant 0 : index
    %get3A_67 = arith.constant 0 : index
    %get3A_68 = vector.load %arg10[%get3A_66, %get3A_67] : memref<1x1xf32, #tpu.memory_space<vmem>>, vector<1x1xf32>
    %add3A_69 = vector.broadcast %get3A_68 : vector<1x1xf32> to vector<2048x1xf32>
    %add3A_70 = arith.addf %add3A_65, %add3A_69 : vector<2048x1xf32>
    %swap3A = arith.constant 0 : index
    %swap3A_71 = arith.constant 0 : index
    %swap3A_72 = vector.load %arg11[%swap3A, %swap3A_71] : memref<2048x1xf32, #tpu.memory_space<vmem>>, vector<2048x1xf32>
    tpu.vector_store %arg11[%swap3A, %swap3A_71], %add3A_70 {strides = array<i32>} : memref<2048x1xf32, #tpu.memory_space<vmem>>, vector<2048x1xf32>,
    return
  }
  func.func @transform_0(%arg0: i32) -> (i32, i32) {
    %c0_i32 = arith.constant 0 : i32
    %c0_i32_0 = arith.constant 0 : i32
    return %arg0, %c0_i32 : i32, i32
  }
  func.func @transform_1(%arg0: i32) -> (i32, i32) {
    %c0_i32 = arith.constant 0 : i32
    %c0_i32_0 = arith.constant 0 : i32
    return %arg0, %c0_i32 : i32, i32
  }
  func.func @transform_2(%arg0: i32) -> (i32, i32) {
    %c0_i32 = arith.constant 0 : i32
    %c0_i32_0 = arith.constant 0 : i32
    return %arg0, %c0_i32 : i32, i32
  }
  func.func @transform_3(%arg0: i32) -> (i32, i32) {
    %c0_i32 = arith.constant 0 : i32
    %c0_i32_0 = arith.constant 0 : i32
    return %arg0, %c0_i32 : i32, i32
  }
  func.func @transform_4(%arg0: i32) -> (i32, i32) {
    %c0_i32 = arith.constant 0 : i32
    %c0_i32_0 = arith.constant 0 : i32
    %c0_i32_1 = arith.constant 0 : i32
    return %c0_i32, %c0_i32_0 : i32, i32
  }
  func.func @transform_5(%arg0: i32) -> (i32, i32) {
    %c0_i32 = arith.constant 0 : i32
    %c0_i32_0 = arith.constant 0 : i32
    %c0_i32_1 = arith.constant 0 : i32
    return %c0_i32, %c0_i32_0 : i32, i32
  }
  func.func @transform_6(%arg0: i32) -> (i32, i32) {
    %c0_i32 = arith.constant 0 : i32
    %c0_i32_0 = arith.constant 0 : i32
    %c0_i32_1 = arith.constant 0 : i32
    return %c0_i32, %c0_i32_0 : i32, i32
  }
  func.func @transform_7(%arg0: i32) -> (i32, i32) {
    %c0_i32 = arith.constant 0 : i32
    %c0_i32_0 = arith.constant 0 : i32
    %c0_i32_1 = arith.constant 0 : i32
    return %c0_i32, %c0_i32_0 : i32, i32
  }
  func.func @transform_8(%arg0: i32) -> (i32, i32) {
    %c0_i32 = arith.constant 0 : i32
    %c0_i32_0 = arith.constant 0 : i32
    %c0_i32_1 = arith.constant 0 : i32
    return %c0_i32, %c0_i32_0 : i32, i32
  }
  func.func @transform_9(%arg0: i32) -> (i32, i32) {
    %c0_i32 = arith.constant 0 : i32
    %c0_i32_0 = arith.constant 0 : i32
    %c0_i32_1 = arith.constant 0 : i32
    return %c0_i32, %c0_i32_0 : i32, i32
  }
  func.func @transform_10(%arg0: i32) -> (i32, i32) {
    %c0_i32 = arith.constant 0 : i32
    %c0_i32_0 = arith.constant 0 : i32
    return %arg0, %c0_i32 : i32, i32
  }
}

</mosaic_0001>

<sc_bundles>
// kernel: kernel.4.cloned.1.call-start
scs
__scs_entry_jumppad:
0x0: {  	(pc) =	sbr.rel $0x88, $3  }
0x1: {  	(tag) =	ssettag $0x0;
	lr =	simm.s32 $0x1  }
0x2: {  	[smem:$0x3F93] =	sst lr;
	_ =	strace $0xD0000000  }
0x3: {  	_ = 	snop  }
0x4: {  	_ = 	snop  }
0x5: {  	_ = 	snop  }
0x6: {  	_ = 	snop  }
0x7: {  	_ = 	snop  }
__scs_overlays_trampoline_lowered:
0x8: {  	[smem:$0x3FA2] =	sst s0  }
0x9: {  	[smem:$0x3FA3] =	sst s1  }
0xa: {  	[smem:$0x3FA4] =	sst s2  }
0xb: {  	[smem:$0x3FA5] =	sst s3  }
0xc: {  	[smem:$0x3FA6] =	sst s4  }
0xd: {  	[smem:$0x3FA7] =	sst s5  }
0xe: {  	[smem:$0x3FA8] =	sst s6  }
0xf: {  	[smem:$0x3FA9] =	sst s7  }
0x10: {  	[smem:$0x3FAA] =	sst s8  }
0x11: {  	[smem:$0x3FAB] =	sst s9;
	s0 =	simm.s32 @!p0 $0x0  }
0x12: {  	s1 =	sld [smem:$0x3F91];
	s0 =	simm.s32 @p0 $0x1  }
0x13: {  	[smem:$0x3FAC] =	sst s0;
	s0 =	simm.s32 @!p1 $0x0  }
0x14: {  	s2 =	sld [smem:$0x3F90];
	s0 =	simm.s32 @p1 $0x1  }
0x15: {  	[smem:$0x3FAD] =	sst s0;
	s0 =	simm.s32 @!p2 $0x0  }
0x16: {  	s3 =	sld [smem:$0x3FDB];
	s0 =	simm.s32 @p2 $0x1  }
0x17: {  	s4 =	simm.s32 $0x1BF5;
	[smem:$0x3FAF] =	sst s0  }
0x18: {  	s0 =	sld [smem:$0x3F92];
	_ =	swait.ge [sflag:s4], $0x0  }
0x19: {  	s7 =	sld [smem:$0x3F93]  }
0x1a: {  	s8 =	sadd.s32 $0xFFFFE003, lr  }
0x1b: {  	s9 =	sadd.s32 $0xFFFFFEF7, lr;
	s5 =	simm.s32 $0xFFFFFFFF;
	p2 =	slt.u32 s8, $0xFFFFF086  }
0x1c: {  	p1 =	slt.u32 s9, $0xF7A;
	s5 =	simm.s32 @!p2 $0x0  }
0x1d: {  	s5 =	simm.s32 @p1 $0x1;
	p0 =	seq.s32 s7, s2  }
0x1e: {  	s7 =	smul.u32 @!p0 $0xF7A, s2;
	p2 =	seq.s32 @!p0 s5, $0x0  }
0x1f: {  	s9 =	smul.u32 $0xF7A, s1;
	s8 =	simm.s32 @!p0 $0x1BF5;
	p2 =	por !p2, p0  }
0x20: {  	[sflag:s8] =	ssyncset.s32 @!p0 $0xFFFFF086;
	s6 =	sadd.s32 @!p0 s3, s7;
	s7 =	simm.s32 @!p0 $0x108  }
0x21: {  	s3 =	sadd.s32 s3, s9;
	s6 =	sadd.s32 @!p0 $0x88, s6;
	s7 =	simm.s32 @p2 $0x1082  }
0x22: {  	[simem:s7], [sflag:s8] =	dma.local @!p0 [hbm:s6], $0xF7A  }
0x23: {  	s9 =	sor.u32 $0xD0000000, s2;
	s6 =	simm.s32 $0x108;
	_ =	swait.ge @!p0 [sflag:s8], $0x0  }
0x24: {  	s3 =	sadd.s32 $0x88, s3;
	s6 =	simm.s32 @!p1 $0x1082;
	[sflag:s4] =	ssyncset.s32 $0xFFFFF086  }
0x25: {  	[simem:s6], [sflag:s4] =	dma.local [hbm:s3], $0xF7A  }
0x26: {  	[smem:$0x3F93] =	sst s1;
	(tag) =	ssettag s2;
	_ =	strace s9  }
0x27: {  	s1 =	sld [smem:$0x3FA3]  }
0x28: {  	s2 =	sld [smem:$0x3FA4]  }
0x29: {  	s4 =	sld [smem:$0x3FA6]  }
0x2a: {  	p0 =	seq.s32 s5, $0x0;
	s5 =	sld [smem:$0x3FA7]  }
0x2b: {  	s6 =	sld [smem:$0x3FA8]  }
0x2c: {  	s7 =	sld [smem:$0x3FA9]  }
0x2d: {  	s3 =	simm.s32 $0x108;
	s8 =	sld [smem:$0x3FAA]  }
0x2e: {  	s3 =	simm.s32 @!p0 $0x1082;
	s9 =	sld [smem:$0x3FAB]  }
0x2f: {  	lr =	sadd.s32 s0, s3;
	s0 =	sld [smem:$0x3FA2]  }
0x30: {  	s3 =	sld [smem:$0x3FA5]  }
0x31: {  	[smem:$0x3FAE] =	sst s10  }
0x32: {  	s10 =	sld [smem:$0x3FAC];
	_ =	sdelay $0x3  }
0x33: {  	p0 =	seq.s32 s10, $0x1;
	s10 =	sld [smem:$0x3FAE];
	_ =	sdelay $0x3  }
0x34: {  	[smem:$0x3FAE] =	sst s10  }
0x35: {  	s10 =	sld [smem:$0x3FAD];
	_ =	sdelay $0x3  }
0x36: {  	p1 =	seq.s32 s10, $0x1;
	s10 =	sld [smem:$0x3FAE];
	_ =	sdelay $0x3  }
0x37: {  	[smem:$0x3FAE] =	sst s10  }
0x38: {  	s10 =	sld [smem:$0x3FAF]  }
0x39: {  	_ = 	snop;
	(pc) =	sbr.ind lr, $3  }
0x3a: {  	_ = 	snop  }
0x3b: {  	_ = 	snop  }
0x3c: {  	p2 =	seq.s32 s10, $0x1;
	s10 =	sld [smem:$0x3FAE]  }
0x3d: {  	_ =	shalt  }
0x3e: {  	_ =	shalt  }
0x3f: {  	_ =	shalt  }
0x40: {  	_ =	shalt  }
0x41: {  	_ =	shalt  }
0x42: {  	_ =	shalt  }
0x43: {  	_ =	shalt  }
0x44: {  	_ =	shalt  }
0x45: {  	_ =	shalt  }
0x46: {  	_ =	shalt  }
0x47: {  	_ =	shalt  }
0x48: {  	_ =	shalt  }
0x49: {  	_ =	shalt  }
0x4a: {  	_ =	shalt  }
0x4b: {  	_ =	shalt  }
0x4c: {  	_ =	shalt  }
0x4d: {  	_ =	shalt  }
0x4e: {  	_ =	shalt  }
0x4f: {  	_ =	shalt  }
0x50: {  	_ =	shalt  }
0x51: {  	_ =	shalt  }
0x52: {  	_ =	shalt  }
0x53: {  	_ =	shalt  }
0x54: {  	_ =	shalt  }
0x55: {  	_ =	shalt  }
0x56: {  	_ =	shalt  }
0x57: {  	_ =	shalt  }
0x58: {  	_ =	shalt  }
0x59: {  	_ =	shalt  }
0x5a: {  	_ =	shalt  }
0x5b: {  	_ =	shalt  }
0x5c: {  	_ =	shalt  }
0x5d: {  	_ =	shalt  }
0x5e: {  	_ =	shalt  }
0x5f: {  	_ =	shalt  }
0x60: {  	_ =	shalt  }
0x61: {  	_ =	shalt  }
0x62: {  	_ =	shalt  }
0x63: {  	_ =	shalt  }
0x64: {  	_ =	shalt  }
0x65: {  	_ =	shalt  }
0x66: {  	_ =	shalt  }
0x67: {  	_ =	shalt  }
0x68: {  	_ =	shalt  }
0x69: {  	_ =	shalt  }
0x6a: {  	_ =	shalt  }
0x6b: {  	_ =	shalt  }
0x6c: {  	_ =	shalt  }
0x6d: {  	_ =	shalt  }
0x6e: {  	_ =	shalt  }
0x6f: {  	_ =	shalt  }
0x70: {  	_ =	shalt  }
0x71: {  	_ =	shalt  }
0x72: {  	_ =	shalt  }
0x73: {  	_ =	shalt  }
0x74: {  	_ =	shalt  }
0x75: {  	_ =	shalt  }
0x76: {  	_ =	shalt  }
0x77: {  	_ =	shalt  }
0x78: {  	_ =	shalt  }
0x79: {  	_ =	shalt  }
0x7a: {  	_ =	shalt  }
0x7b: {  	_ =	shalt  }
0x7c: {  	_ =	shalt  }
0x7d: {  	_ =	shalt  }
0x7e: {  	_ =	shalt  }
0x7f: {  	_ =	shalt  }
0x80: {  	_ =	shalt  }
0x81: {  	_ =	shalt  }
0x82: {  	_ =	shalt  }
0x83: {  	_ =	shalt  }
0x84: {  	_ =	shalt  }
0x85: {  	_ =	shalt  }
0x86: {  	_ =	shalt  }
0x87: {  	_ =	shalt  }
.Lfunc_end0:
.L_simem_size_0:
called_computation_lowered:
.L_overlay_start_0:
0x88: {  	s2 =	sld [smem:$0x3FD9]  }
0x89: {  	s3 =	sld [smem:$0x3FFE];
	_ =	sdelay $0x1  }
0x8a: {  	s1 =	srdreg.scid  }
0x8b: {  	s0 =	sand.u32 $0x1, s1  }
0x8c: {  	s17 =	sshll.u32 s0, $0xA;
	s2 =	sadd.s32 s3, s2  }
0x8d: {  	s2 =	sadd.s32 s2, s17  }
0x8e: {  	[smem:$0x3FBA] =	sst s2  }
0x8f: {  	_ = 	snop  }
0x90: {  	s2 =	sld [smem:$0x3FC9]  }
0x91: {  	s18 =	sld [smem:$0x3FC8]  }
0x92: {  	s4 =	sld [smem:$0x3FD0];
	(tm) =	ssettm $0x1  }
0x93: {  	s5 =	sld [smem:$0x3FFB];
	_ =	sdelay $0x3  }
0x94: {  	_ =	strace s5  }
0x95: {  	s5 =	sld [smem:$0x3FFC];
	_ =	sdelay $0x3  }
0x96: {  	_ =	strace s5  }
0x97: {  	s5 =	sld [smem:$0x3FFD];
	_ =	sdelay $0x3  }
0x98: {  	_ =	strace s5  }
0x99: {  	_ =	strace $0x8FFFFFFF  }
0x9a: {  	s19 =	sld [smem:$0x3FDB];
	_ =	sdelay $0x1  }
0x9b: {  	s6 =	simm.s32 $_scs_section_size  }
0x9c: {  	s7 =	simm.s32 $_size__tile_overlayer_lowered;
	s8 =	simm.s32 $_tile_overlayer_lowered  }
0x9d: {  	s22 =	simm.s32 $0x1BFF;
	s21 =	sshll.u32 s8, $0x1;
	s5 =	sadd.s32 s6, s19  }
0x9e: {  	s9 =	simm.s32 $0x0;
	s20 =	sshll.u32 s7, $0x1;
	s7 =	sadd.s32 s21, s5  }
0x9f: {  	[timem:s9], [sflag:s22] =	dma.local [hbm:s7], s20  }
0xa0: {  	_ =	swait.ge [sflag:s22], s20  }
0xa1: {  	s6 =	ssub.s32 $0x0, s20;
	[sflag:s22] =	ssyncset.done $0x0  }
0xa2: {  	[sflag:s22] =	ssyncadd.s32 s6;
	_ =	sdelay $0x1  }
0xa3: {  	s23 =	simm.s32 $0x1B8B  }
0xa4: {  	_ =	swait.ge [sflag:s23], $0x1  }
0xa5: {  	[sflag:s23] =	ssyncset.done $0x0  }
0xa6: {  	s25 =	simm.s32 $0x1B8E;
	s24 =	sld [smem:$0x3FFE];
	[sflag:s23] =	ssyncadd.s32 $0xFFFFFFFF  }
0xa7: {  	s26 =	simm.s32 $execute0_lowered;
	[smem:$0x3FD2] =	sst s25  }
0xa8: {  	s7 =	sshll.u32 s26, $0x1;
	_ =	strace $0x80000046;
	[dreg:$0x1] =	wrdreg $0xFFFFFFFF  }
0xa9: {  	s28 =	simm.s32 $_size_execute0_lowered;
	s5 =	sadd.s32 s5, s7;
	[dreg:$0x0] =	wrdreg $0x0  }
0xaa: {  	s7 =	sshll.u32 s28, $0x1;
	[dreg:$0x2] =	wrdreg s5  }
0xab: {  	[dreg:$0x3] =	wrdreg s7  }
0xac: {  	[dreg:$0x4] =	wrdreg $0xC0  }
0xad: {  	_ =	task [dreg:s9], $0x5FFFF  }
0xae: {  	[dreg:$0x1] =	wrdreg $0xFFFFFFFF  }
0xaf: {  	[dreg:$0x0] =	wrdreg $0x60  }
0xb0: {  	[dreg:$0x2] =	wrdreg s2  }
0xb1: {  	[dreg:$0x3] =	wrdreg s18  }
0xb2: {  	[dreg:$0x4] =	wrdreg s24  }
0xb3: {  	[dreg:$0x5] =	wrdreg s4  }
0xb4: {  	[dreg:$0x6] =	wrdreg $0x9  }
0xb5: {  	_ =	task.clear_ibuf [dreg:s9], $0x7FFFF;
	_ =	strace $0x90000046  }
0xb6: {  	s29 =	simm.s32 $0x9;
	_ =	strace $0x80000048  }
0xb7: {  	_ =	swait.ge [sflag:s29], $0x1  }
0xb8: {  	[sflag:s29] =	ssyncadd.s32 $0xFFFFFFFF  }
0xb9: {  	_ =	strace $0x90000048  }
0xba: {  	_ =	sfence  }
0xbb: {  	s30 =	sld [smem:$0x0];
	_ =	sdelay $0x2  }
0xbc: {  	s31 =	sshll.u32 s1, $0xD;
	s1 =	sshrl.u32 s1, $0x2  }
0xbd: {  	s3 =	sand.u32 $0x4000, s31;
	s1 =	sadd.s32 s1, s30  }
0xbe: {  	s0 =	sor.u32 s3, s0;
	s1 =	sshll.u32 s1, $0x11  }
0xbf: {  	s0 =	sor.u32 s1, s0  }
0xc0: {  	s0 =	sadd.s32 $0x8F2B, s0  }
0xc1: {  	[sflag:s0] =	ssyncadd.remote.s32 $0x1  }
0xc2: {  	_ =	sfence.sel $0xFFFF  }
0xc3: {  	[dreg:$0x0] =	wrdreg $0xFFFFFFFF;
	(pc) =	sbr.abs _section_cstart, $3  }
0xc4: {  	[dreg:$0x1] =	wrdreg $0xFFFFFFFF  }
0xc5: {  	_ =	task.clear_ibuf [dreg:s9], $0x2FFFF;
	_ =	strace $0x9FFFFFFF  }
0xc6: {  	(tm) =	ssettm $0x7FFFFFFF  }
0xc7: {  	_ =	shalt  }
tec
execute0_lowered:
.L_overlay_start_1:
0x0: {  	(tag) =	ssettag $0x1  }
0x1: {  	s0 =	rddreg [dreg:$0x0]  }
0x2: {  	s1 =	rddreg [dreg:$0x1]  }
0x3: {  	s3 =	rddreg [dreg:$0x2]  }
0x4: {  	s4 =	rddreg [dreg:$0x3];
	s5 =	srdreg.scid  }
0x5: {  	s6 =	stileid.u32;
	s2 =	simm.s32 $0x0;
	s28 =	simm.s32 $0x4700  }
0x6: {  	p0 =	por $0x0, $0x0;
	s29 =	simm.s32 $0x380;
	s30 =	simm.s32 $0x4580  }
0x7: {  	s31 =	simm.s32 $0x4780;
	s5 =	sand.u32 $0x1, s5;
	s6 =	sshll.u32 s6, $0x1  }
0x8: {  	[smem:$0x7FF] =	sst s2;
	s14 =	sadd.s32 $0x112BC00, s3;
	s8 =	sadd.s32 $0x46E00, s3  }
0x9: {  	s18 =	sadd.s32 $0x3EE00, s3;
	s17 =	sadd.s32 $0x1FC00, s3;
	s6 =	sor.u32 s5, s6  }
0xa: {  	_ =	strace $0x80000047;
	s5 =	ssub.s32 $0x2, s5;
	s7 =	sshll.u32 s6, $0x6  }
0xb: {  	s16 =	sshll.u32 s6, $0xA;
	s11 =	sshrl.u32 s5, $0x1;
	s6 =	simm.s32 $0x3C00  }
0xc: {  	s0 =	sadd.s32 s0, s7;
	s15 =	sadd.s32 s1, s7;
	s19 =	sadd.s32 s8, s16  }
0xd: {  	s20 =	sadd.s32 s18, s16;
	s9 =	sor.u32 $0x100, s16;
	s23 =	sor.u32 $0x200, s16  }
0xe: {  	s1 =	sor.u32 $0x300, s16;
	s26 =	sadd.s32 s7, s3;
	[dreg:$0x5] =	wrdreg s0  }
0xf: {  	s12 =	sadd.s32 s4, s7;
	s4 =	simm.s32 $0x4600;
	[dreg:$0x6] =	wrdreg s15  }
0x10: {  	s7 =	simm.s32 $0x3400;
	[dreg:$0x7] =	wrdreg s19;
	s15 =	sadd.s32 $0xF43600, s3  }
0x11: {  	[dreg:$0x8] =	wrdreg s20;
	s21 =	sadd.s32 s8, s9;
	s22 =	sadd.s32 s18, s9  }
0x12: {  	s24 =	sadd.s32 s8, s23;
	s25 =	sadd.s32 s18, s23;
	s8 =	sadd.s32 s8, s1  }
0x13: {  	s10 =	sadd.s32 s18, s1;
	s1 =	ssub.s32 s5, s11;
	[dreg:$0xf] =	wrdreg s12  }
0x14: {  	s13 =	sadd.s32 $0x3E600, s26;
	s18 =	sadd.s32 $0x1200, s3;
	[dreg:$0x9] =	wrdreg s21  }
0x15: {  	s3 =	simm.s32 $0x2;
	s20 =	simm.s32 $0x200;
	[dreg:$0xa] =	wrdreg s22  }
0x16: {  	s19 =	simm.s32 $0x80;
	s12 =	simm.s32 $0x2400;
	[dreg:$0xb] =	wrdreg s24  }
0x17: {  	s5 =	simm.s32 $0x4400;
	s11 =	simm.s32 $0xC00;
	[dreg:$0xc] =	wrdreg s25  }
0x18: {  	s26 =	simm.s32 $0x4480;
	[dreg:$0xd] =	wrdreg s8;
	s16 =	smax.u32 s1, $0x1  }
0x19: {  	s9 =	simm.s32 $0x1400;
	[dreg:$0xe] =	wrdreg s10;
	p1 =	sne.s32 s16, $0x1  }
.Ltmp0:
0x1a: {  	s23 =	simm.s32 $0x300;
	[dreg:$0x10] =	wrdreg s13;
	(pc) =	sbr.rel @!p1 .LBB2_3-.Ltmp0, $4  }
0x1b: {  	s13 =	simm.s32 $0x400;
	s21 =	simm.s32 $0x280;
	s10 =	simm.s32 $0x2C00  }
0x1c: {  	[dreg:$0x11] =	wrdreg s26;
	s24 =	simm.s32 $0x4680;
	s22 =	simm.s32 $0x100  }
0x1d: {  	s26 =	simm.s32 $0x4500;
	s25 =	simm.s32 $0x180;
	s8 =	simm.s32 $0x1C00  }
0x1e: {  	s1 =	rddreg [dreg:$0x5];
	s0 =	sadd.s32 $0xFFFFFFFF, s16;
	s16 =	simm.s32 $0x1  }
0x1f: {  	[tilespmem:s2], [sflag:$0x2] =	stream.linear.gather [hbm4b:s1+s2], $0x200, $0x38;
	[tilespmem:$0x4800] =	vst v63  }
0x20: {  	_ =	swait.ge [sflag:s3], $0x200  }
0x21: {  	[sflag:s3] =	ssyncset.done $0x0  }
0x22: {  	s1 =	rddreg [dreg:$0x6];
	[sflag:s3] =	ssyncadd.s32 $0xFFFFFE00  }
0x23: {  	[tilespmem:s20], [sflag:$0x2] =	stream.linear.gather [hbm4b:s1+s2], $0x200, $0x38;
	[tilespmem:$0x4800] =	vst v63  }
0x24: {  	_ =	swait.ge [sflag:s3], $0x200  }
0x25: {  	[sflag:s3] =	ssyncset.done $0x0  }
0x26: {  	[sflag:s3] =	ssyncadd.s32 $0xFFFFFE00  }
0x27: {  	[tilespmem:s13], [sflag:$0x1] =	stream.indirect.gather [hbm4b:s14+s19], $0x10, s2, s19, $0xb8;
	[tilespmem:$0x4800] =	vst v63  }
0x28: {  	_ = 	snop  }
0x29: {  	[tilespmem:s12], [sflag:$0x1] =	stream.indirect.gather [hbm4b:s15+s19], $0x10, s20, s19, $0xb8;
	[tilespmem:$0x4800] =	vst v63  }
0x2a: {  	_ = 	snop  }
0x2b: {  	[tilespmem:s5], [sflag:$0x1] =	stream.indirect.gather [hbm4b:s17+s19], $0x1, s2, s19, $0xb8;
	[tilespmem:$0x4800] =	vst v63  }
0x2c: {  	_ = 	snop  }
0x2d: {  	[tilespmem:s4], [sflag:$0x1] =	stream.indirect.gather [hbm4b:s18+s19], $0x1, s20, s19, $0xb8;
	[tilespmem:$0x4800] =	vst v63  }
0x2e: {  	_ = 	snop  }
0x2f: {  	[tilespmem:s11], [sflag:$0x1] =	stream.indirect.gather [hbm4b:s14+s19], $0x10, s19, s19, $0xb8;
	[tilespmem:$0x4800] =	vst v63  }
0x30: {  	_ = 	snop  }
0x31: {  	[tilespmem:s10], [sflag:$0x1] =	stream.indirect.gather [hbm4b:s15+s19], $0x10, s21, s19, $0xb8;
	[tilespmem:$0x4800] =	vst v63  }
0x32: {  	s1 =	rddreg [dreg:$0x11]  }
0x33: {  	[tilespmem:s1], [sflag:$0x1] =	stream.indirect.gather [hbm4b:s17+s19], $0x1, s19, s19, $0xb8;
	[tilespmem:$0x4800] =	vst v63  }
0x34: {  	_ = 	snop  }
0x35: {  	[tilespmem:s24], [sflag:$0x1] =	stream.indirect.gather [hbm4b:s18+s19], $0x1, s21, s19, $0xb8;
	[tilespmem:$0x4800] =	vst v63  }
0x36: {  	_ = 	snop  }
0x37: {  	[tilespmem:s9], [sflag:$0x1] =	stream.indirect.gather [hbm4b:s14+s19], $0x10, s22, s19, $0xb8;
	[tilespmem:$0x4800] =	vst v63  }
0x38: {  	_ = 	snop  }
0x39: {  	[tilespmem:s7], [sflag:$0x1] =	stream.indirect.gather [hbm4b:s15+s19], $0x10, s23, s19, $0xb8;
	[tilespmem:$0x4800] =	vst v63  }
0x3a: {  	_ = 	snop  }
0x3b: {  	[tilespmem:s26], [sflag:$0x1] =	stream.indirect.gather [hbm4b:s17+s19], $0x1, s22, s19, $0xb8;
	[tilespmem:$0x4800] =	vst v63  }
0x3c: {  	_ = 	snop  }
0x3d: {  	[tilespmem:s28], [sflag:$0x1] =	stream.indirect.gather [hbm4b:s18+s19], $0x1, s23, s19, $0xb8;
	[tilespmem:$0x4800] =	vst v63  }
0x3e: {  	_ = 	snop  }
0x3f: {  	[tilespmem:s8], [sflag:$0x1] =	stream.indirect.gather [hbm4b:s14+s19], $0x10, s25, s19, $0xb8;
	[tilespmem:$0x4800] =	vst v63  }
0x40: {  	_ = 	snop  }
0x41: {  	[tilespmem:s6], [sflag:$0x1] =	stream.indirect.gather [hbm4b:s15+s19], $0x10, s29, s19, $0xb8;
	[tilespmem:$0x4800] =	vst v63  }
0x42: {  	_ = 	snop  }
0x43: {  	[tilespmem:s30], [sflag:$0x1] =	stream.indirect.gather [hbm4b:s17+s19], $0x1, s25, s19, $0xb8;
	[tilespmem:$0x4800] =	vst v63  }
0x44: {  	_ = 	snop  }
0x45: {  	[tilespmem:s31], [sflag:$0x1] =	stream.indirect.gather [hbm4b:s18+s19], $0x1, s29, s19, $0xb8;
	[tilespmem:$0x4800] =	vst v63  }
0x46: {  	_ =	swait.ge [sflag:s16], $0x800  }
0x47: {  	[sflag:s16] =	ssyncset.done $0x0  }
0x48: {  	[sflag:s16] =	ssyncadd.s32 $0xFFFFF800  }
0x49: {  	_ =	swait.ge [sflag:s16], $0x800  }
0x4a: {  	[sflag:s16] =	ssyncset.done $0x0  }
0x4b: {  	[sflag:s16] =	ssyncadd.s32 $0xFFFFF800  }
0x4c: {  	_ =	swait.ge [sflag:s16], $0x80  }
0x4d: {  	[sflag:s16] =	ssyncset.done $0x0  }
0x4e: {  	[sflag:s16] =	ssyncadd.s32 $0xFFFFFF80  }
0x4f: {  	_ =	swait.ge [sflag:s16], $0x80  }
0x50: {  	[sflag:s16] =	ssyncset.done $0x0  }
0x51: {  	[sflag:s16] =	ssyncadd.s32 $0xFFFFFF80  }
0x52: {  	_ =	swait.ge [sflag:s16], $0x800  }
0x53: {  	[sflag:s16] =	ssyncset.done $0x0  }
0x54: {  	[sflag:s16] =	ssyncadd.s32 $0xFFFFF800  }
0x55: {  	_ =	swait.ge [sflag:s16], $0x800  }
0x56: {  	[sflag:s16] =	ssyncset.done $0x0  }
0x57: {  	[sflag:s16] =	ssyncadd.s32 $0xFFFFF800  }
0x58: {  	_ =	swait.ge [sflag:s16], $0x80  }
0x59: {  	[sflag:s16] =	ssyncset.done $0x0  }
0x5a: {  	[sflag:s16] =	ssyncadd.s32 $0xFFFFFF80  }
0x5b: {  	_ =	swait.ge [sflag:s16], $0x80  }
0x5c: {  	[sflag:s16] =	ssyncset.done $0x0  }
0x5d: {  	[sflag:s16] =	ssyncadd.s32 $0xFFFFFF80  }
0x5e: {  	_ =	swait.ge [sflag:s16], $0x800  }
0x5f: {  	[sflag:s16] =	ssyncset.done $0x0  }
0x60: {  	[sflag:s16] =	ssyncadd.s32 $0xFFFFF800  }
0x61: {  	_ =	swait.ge [sflag:s16], $0x800  }
0x62: {  	[sflag:s16] =	ssyncset.done $0x0  }
0x63: {  	[sflag:s16] =	ssyncadd.s32 $0xFFFFF800  }
0x64: {  	_ =	swait.ge [sflag:s16], $0x80  }
0x65: {  	[sflag:s16] =	ssyncset.done $0x0  }
0x66: {  	[sflag:s16] =	ssyncadd.s32 $0xFFFFFF80  }
0x67: {  	_ =	swait.ge [sflag:s16], $0x80  }
0x68: {  	[sflag:s16] =	ssyncset.done $0x0  }
0x69: {  	[sflag:s16] =	ssyncadd.s32 $0xFFFFFF80  }
0x6a: {  	_ =	swait.ge [sflag:s16], $0x800  }
0x6b: {  	[sflag:s16] =	ssyncset.done $0x0  }
0x6c: {  	[sflag:s16] =	ssyncadd.s32 $0xFFFFF800  }
0x6d: {  	_ =	swait.ge [sflag:s16], $0x800  }
0x6e: {  	[sflag:s16] =	ssyncset.done $0x0  }
0x6f: {  	[sflag:s16] =	ssyncadd.s32 $0xFFFFF800  }
0x70: {  	_ =	swait.ge [sflag:s16], $0x80  }
0x71: {  	[sflag:s16] =	ssyncset.done $0x0  }
0x72: {  	[sflag:s16] =	ssyncadd.s32 $0xFFFFFF80  }
0x73: {  	_ =	swait.ge [sflag:s16], $0x80  }
0x74: {  	[sflag:s16] =	ssyncset.done $0x0  }
0x75: {  	s1 =	rddreg [dreg:$0x7];
	[sflag:s16] =	ssyncadd.s32 $0xFFFFFF80  }
0x76: {  	[hbm4b:s1+s2] =	stream.linear.scatter [tilespmem:s13], [sflag:$0x2], $0x800, $0x38;
	[tilespmem:$0x4800] =	vst v63  }
0x77: {  	_ =	swait.ge [sflag:s3], $0x800  }
0x78: {  	[sflag:s3] =	ssyncset.done $0x0  }
0x79: {  	s1 =	rddreg [dreg:$0x8];
	[sflag:s3] =	ssyncadd.s32 $0xFFFFF800  }
0x7a: {  	[hbm4b:s1+s2] =	stream.linear.scatter [tilespmem:s12], [sflag:$0x2], $0x800, $0x38;
	[tilespmem:$0x4800] =	vst v63  }
0x7b: {  	_ =	swait.ge [sflag:s3], $0x800  }
0x7c: {  	[sflag:s3] =	ssyncset.done $0x0  }
0x7d: {  	s1 =	rddreg [dreg:$0x9];
	[sflag:s3] =	ssyncadd.s32 $0xFFFFF800  }
0x7e: {  	[hbm4b:s1+s2] =	stream.linear.scatter [tilespmem:s11], [sflag:$0x2], $0x800, $0x38;
	[tilespmem:$0x4800] =	vst v63  }
0x7f: {  	_ =	swait.ge [sflag:s3], $0x800  }
0x80: {  	[sflag:s3] =	ssyncset.done $0x0  }
0x81: {  	s1 =	rddreg [dreg:$0xa];
	[sflag:s3] =	ssyncadd.s32 $0xFFFFF800  }
0x82: {  	[hbm4b:s1+s2] =	stream.linear.scatter [tilespmem:s10], [sflag:$0x2], $0x800, $0x38;
	[tilespmem:$0x4800] =	vst v63  }
0x83: {  	_ =	swait.ge [sflag:s3], $0x800  }
0x84: {  	[sflag:s3] =	ssyncset.done $0x0  }
0x85: {  	s1 =	rddreg [dreg:$0xb];
	[sflag:s3] =	ssyncadd.s32 $0xFFFFF800  }
0x86: {  	[hbm4b:s1+s2] =	stream.linear.scatter [tilespmem:s9], [sflag:$0x2], $0x800, $0x38;
	[tilespmem:$0x4800] =	vst v63  }
0x87: {  	_ =	swait.ge [sflag:s3], $0x800  }
0x88: {  	[sflag:s3] =	ssyncset.done $0x0  }
0x89: {  	s1 =	rddreg [dreg:$0xc];
	[sflag:s3] =	ssyncadd.s32 $0xFFFFF800  }
0x8a: {  	[hbm4b:s1+s2] =	stream.linear.scatter [tilespmem:s7], [sflag:$0x2], $0x800, $0x38;
	[tilespmem:$0x4800] =	vst v63  }
0x8b: {  	_ =	swait.ge [sflag:s3], $0x800  }
0x8c: {  	[sflag:s3] =	ssyncset.done $0x0  }
0x8d: {  	s1 =	rddreg [dreg:$0xd];
	[sflag:s3] =	ssyncadd.s32 $0xFFFFF800  }
0x8e: {  	[hbm4b:s1+s2] =	stream.linear.scatter [tilespmem:s8], [sflag:$0x2], $0x800, $0x38;
	[tilespmem:$0x4800] =	vst v63  }
0x8f: {  	_ =	swait.ge [sflag:s3], $0x800  }
0x90: {  	[sflag:s3] =	ssyncset.done $0x0  }
0x91: {  	s1 =	rddreg [dreg:$0xe];
	[sflag:s3] =	ssyncadd.s32 $0xFFFFF800  }
0x92: {  	[hbm4b:s1+s2] =	stream.linear.scatter [tilespmem:s6], [sflag:$0x2], $0x800, $0x38;
	[tilespmem:$0x4800] =	vst v63  }
0x93: {  	_ =	swait.ge [sflag:s3], $0x800  }
0x94: {  	[sflag:s3] =	ssyncset.done $0x0  }
0x95: {  	s1 =	rddreg [dreg:$0xf];
	[sflag:s3] =	ssyncadd.s32 $0xFFFFF800  }
0x96: {  	[hbm4b:s1+s2] =	stream.linear.scatter [tilespmem:s5], [sflag:$0x2], $0x200, $0x38;
	[tilespmem:$0x4800] =	vst v63  }
0x97: {  	p1 =	sne.s32 s0, $0x1;
	_ =	swait.ge [sflag:s3], $0x200  }
.Ltmp1:
0x98: {  	[sflag:s3] =	ssyncset.done $0x0;
	(pc) =	sbr.rel @!p1 .LBB2_3-.Ltmp1, $4  }
0x99: {  	s1 =	rddreg [dreg:$0x10];
	[sflag:s3] =	ssyncadd.s32 $0xFFFFFE00  }
0x9a: {  	[hbm4b:s1+s2] =	stream.linear.scatter [tilespmem:s4], [sflag:$0x2], $0x200, $0x38;
	[tilespmem:$0x4800] =	vst v63  }
0x9b: {  	s0 =	sadd.s32 $0xFFFFFFFF, s0;
	_ =	swait.ge [sflag:s3], $0x200  }
0x9c: {  	p0 =	por $0x1, $0x1;
	s1 =	rddreg [dreg:$0x5];
	[sflag:s3] =	ssyncset.done $0x0  }
.LBB2_2:
0x9d: {  	[sflag:s3] =	ssyncadd.s32 $0xFFFFFE00  }
0x9e: {  	[tilespmem:s2], [sflag:$0x2] =	stream.linear.gather [hbm4b:s1+s2], $0x200, $0x38;
	[tilespmem:$0x4800] =	vst v63  }
0x9f: {  	_ =	swait.ge [sflag:s3], $0x200  }
0xa0: {  	[sflag:s3] =	ssyncset.done $0x0  }
0xa1: {  	s1 =	rddreg [dreg:$0x6];
	[sflag:s3] =	ssyncadd.s32 $0xFFFFFE00  }
0xa2: {  	[tilespmem:s20], [sflag:$0x2] =	stream.linear.gather [hbm4b:s1+s2], $0x200, $0x38;
	[tilespmem:$0x4800] =	vst v63  }
0xa3: {  	_ =	swait.ge [sflag:s3], $0x200  }
0xa4: {  	[sflag:s3] =	ssyncset.done $0x0  }
0xa5: {  	[sflag:s3] =	ssyncadd.s32 $0xFFFFFE00  }
0xa6: {  	[tilespmem:s13], [sflag:$0x1] =	stream.indirect.gather [hbm4b:s14+s19], $0x10, s2, s19, $0xb8;
	[tilespmem:$0x4800] =	vst v63  }
0xa7: {  	_ = 	snop  }
0xa8: {  	[tilespmem:s12], [sflag:$0x1] =	stream.indirect.gather [hbm4b:s15+s19], $0x10, s20, s19, $0xb8;
	[tilespmem:$0x4800] =	vst v63  }
0xa9: {  	_ = 	snop  }
0xaa: {  	[tilespmem:s5], [sflag:$0x1] =	stream.indirect.gather [hbm4b:s17+s19], $0x1, s2, s19, $0xb8;
	[tilespmem:$0x4800] =	vst v63  }
0xab: {  	_ = 	snop  }
0xac: {  	[tilespmem:s4], [sflag:$0x1] =	stream.indirect.gather [hbm4b:s18+s19], $0x1, s20, s19, $0xb8;
	[tilespmem:$0x4800] =	vst v63  }
0xad: {  	_ = 	snop  }
0xae: {  	[tilespmem:s11], [sflag:$0x1] =	stream.indirect.gather [hbm4b:s14+s19], $0x10, s19, s19, $0xb8;
	[tilespmem:$0x4800] =	vst v63  }
0xaf: {  	_ = 	snop  }
0xb0: {  	[tilespmem:s10], [sflag:$0x1] =	stream.indirect.gather [hbm4b:s15+s19], $0x10, s21, s19, $0xb8;
	[tilespmem:$0x4800] =	vst v63  }
0xb1: {  	s1 =	rddreg [dreg:$0x11]  }
0xb2: {  	[tilespmem:s1], [sflag:$0x1] =	stream.indirect.gather [hbm4b:s17+s19], $0x1, s19, s19, $0xb8;
	[tilespmem:$0x4800] =	vst v63  }
0xb3: {  	_ = 	snop  }
0xb4: {  	[tilespmem:s24], [sflag:$0x1] =	stream.indirect.gather [hbm4b:s18+s19], $0x1, s21, s19, $0xb8;
	[tilespmem:$0x4800] =	vst v63  }
0xb5: {  	_ = 	snop  }
0xb6: {  	[tilespmem:s9], [sflag:$0x1] =	stream.indirect.gather [hbm4b:s14+s19], $0x10, s22, s19, $0xb8;
	[tilespmem:$0x4800] =	vst v63  }
0xb7: {  	_ = 	snop  }
0xb8: {  	[tilespmem:s7], [sflag:$0x1] =	stream.indirect.gather [hbm4b:s15+s19], $0x10, s23, s19, $0xb8;
	[tilespmem:$0x4800] =	vst v63  }
0xb9: {  	_ = 	snop  }
0xba: {  	[tilespmem:s26], [sflag:$0x1] =	stream.indirect.gather [hbm4b:s17+s19], $0x1, s22, s19, $0xb8;
	[tilespmem:$0x4800] =	vst v63  }
0xbb: {  	_ = 	snop  }
0xbc: {  	[tilespmem:s28], [sflag:$0x1] =	stream.indirect.gather [hbm4b:s18+s19], $0x1, s23, s19, $0xb8;
	[tilespmem:$0x4800] =	vst v63  }
0xbd: {  	_ = 	snop  }
0xbe: {  	[tilespmem:s8], [sflag:$0x1] =	stream.indirect.gather [hbm4b:s14+s19], $0x10, s25, s19, $0xb8;
	[tilespmem:$0x4800] =	vst v63  }
0xbf: {  	_ = 	snop  }
0xc0: {  	[tilespmem:s6], [sflag:$0x1] =	stream.indirect.gather [hbm4b:s15+s19], $0x10, s29, s19, $0xb8;
	[tilespmem:$0x4800] =	vst v63  }
0xc1: {  	_ = 	snop  }
0xc2: {  	[tilespmem:s30], [sflag:$0x1] =	stream.indirect.gather [hbm4b:s17+s19], $0x1, s25, s19, $0xb8;
	[tilespmem:$0x4800] =	vst v63  }
0xc3: {  	_ = 	snop  }
0xc4: {  	[tilespmem:s31], [sflag:$0x1] =	stream.indirect.gather [hbm4b:s18+s19], $0x1, s29, s19, $0xb8;
	[tilespmem:$0x4800] =	vst v63  }
0xc5: {  	_ =	swait.ge [sflag:s16], $0x800  }
0xc6: {  	[sflag:s16] =	ssyncset.done $0x0  }
0xc7: {  	[sflag:s16] =	ssyncadd.s32 $0xFFFFF800  }
0xc8: {  	_ =	swait.ge [sflag:s16], $0x800  }
0xc9: {  	[sflag:s16] =	ssyncset.done $0x0  }
0xca: {  	[sflag:s16] =	ssyncadd.s32 $0xFFFFF800  }
0xcb: {  	_ =	swait.ge [sflag:s16], $0x80  }
0xcc: {  	[sflag:s16] =	ssyncset.done $0x0  }
0xcd: {  	[sflag:s16] =	ssyncadd.s32 $0xFFFFFF80  }
0xce: {  	_ =	swait.ge [sflag:s16], $0x80  }
0xcf: {  	[sflag:s16] =	ssyncset.done $0x0  }
0xd0: {  	[sflag:s16] =	ssyncadd.s32 $0xFFFFFF80  }
0xd1: {  	_ =	swait.ge [sflag:s16], $0x800  }
0xd2: {  	[sflag:s16] =	ssyncset.done $0x0  }
0xd3: {  	[sflag:s16] =	ssyncadd.s32 $0xFFFFF800  }
0xd4: {  	_ =	swait.ge [sflag:s16], $0x800  }
0xd5: {  	[sflag:s16] =	ssyncset.done $0x0  }
0xd6: {  	[sflag:s16] =	ssyncadd.s32 $0xFFFFF800  }
0xd7: {  	_ =	swait.ge [sflag:s16], $0x80  }
0xd8: {  	[sflag:s16] =	ssyncset.done $0x0  }
0xd9: {  	[sflag:s16] =	ssyncadd.s32 $0xFFFFFF80  }
0xda: {  	_ =	swait.ge [sflag:s16], $0x80  }
0xdb: {  	[sflag:s16] =	ssyncset.done $0x0  }
0xdc: {  	[sflag:s16] =	ssyncadd.s32 $0xFFFFFF80  }
0xdd: {  	_ =	swait.ge [sflag:s16], $0x800  }
0xde: {  	[sflag:s16] =	ssyncset.done $0x0  }
0xdf: {  	[sflag:s16] =	ssyncadd.s32 $0xFFFFF800  }
0xe0: {  	_ =	swait.ge [sflag:s16], $0x800  }
0xe1: {  	[sflag:s16] =	ssyncset.done $0x0  }
0xe2: {  	[sflag:s16] =	ssyncadd.s32 $0xFFFFF800  }
0xe3: {  	_ =	swait.ge [sflag:s16], $0x80  }
0xe4: {  	[sflag:s16] =	ssyncset.done $0x0  }
0xe5: {  	[sflag:s16] =	ssyncadd.s32 $0xFFFFFF80  }
0xe6: {  	_ =	swait.ge [sflag:s16], $0x80  }
0xe7: {  	[sflag:s16] =	ssyncset.done $0x0  }
0xe8: {  	[sflag:s16] =	ssyncadd.s32 $0xFFFFFF80  }
0xe9: {  	_ =	swait.ge [sflag:s16], $0x800  }
0xea: {  	[sflag:s16] =	ssyncset.done $0x0  }
0xeb: {  	[sflag:s16] =	ssyncadd.s32 $0xFFFFF800  }
0xec: {  	_ =	swait.ge [sflag:s16], $0x800  }
0xed: {  	[sflag:s16] =	ssyncset.done $0x0  }
0xee: {  	[sflag:s16] =	ssyncadd.s32 $0xFFFFF800  }
0xef: {  	_ =	swait.ge [sflag:s16], $0x80  }
0xf0: {  	[sflag:s16] =	ssyncset.done $0x0  }
0xf1: {  	[sflag:s16] =	ssyncadd.s32 $0xFFFFFF80  }
0xf2: {  	_ =	swait.ge [sflag:s16], $0x80  }
0xf3: {  	[sflag:s16] =	ssyncset.done $0x0  }
0xf4: {  	s1 =	rddreg [dreg:$0x7];
	[sflag:s16] =	ssyncadd.s32 $0xFFFFFF80  }
0xf5: {  	[hbm4b:s1+s2] =	stream.linear.scatter [tilespmem:s13], [sflag:$0x2], $0x800, $0x38;
	[tilespmem:$0x4800] =	vst v63  }
0xf6: {  	_ =	swait.ge [sflag:s3], $0x800  }
0xf7: {  	[sflag:s3] =	ssyncset.done $0x0  }
0xf8: {  	s1 =	rddreg [dreg:$0x8];
	[sflag:s3] =	ssyncadd.s32 $0xFFFFF800  }
0xf9: {  	[hbm4b:s1+s2] =	stream.linear.scatter [tilespmem:s12], [sflag:$0x2], $0x800, $0x38;
	[tilespmem:$0x4800] =	vst v63  }
0xfa: {  	_ =	swait.ge [sflag:s3], $0x800  }
0xfb: {  	[sflag:s3] =	ssyncset.done $0x0  }
0xfc: {  	s1 =	rddreg [dreg:$0x9];
	[sflag:s3] =	ssyncadd.s32 $0xFFFFF800  }
0xfd: {  	[hbm4b:s1+s2] =	stream.linear.scatter [tilespmem:s11], [sflag:$0x2], $0x800, $0x38;
	[tilespmem:$0x4800] =	vst v63  }
0xfe: {  	_ =	swait.ge [sflag:s3], $0x800  }
0xff: {  	[sflag:s3] =	ssyncset.done $0x0  }
0x100: {  	s1 =	rddreg [dreg:$0xa];
	[sflag:s3] =	ssyncadd.s32 $0xFFFFF800  }
0x101: {  	[hbm4b:s1+s2] =	stream.linear.scatter [tilespmem:s10], [sflag:$0x2], $0x800, $0x38;
	[tilespmem:$0x4800] =	vst v63  }
0x102: {  	_ =	swait.ge [sflag:s3], $0x800  }
0x103: {  	[sflag:s3] =	ssyncset.done $0x0  }
0x104: {  	s1 =	rddreg [dreg:$0xb];
	[sflag:s3] =	ssyncadd.s32 $0xFFFFF800  }
0x105: {  	[hbm4b:s1+s2] =	stream.linear.scatter [tilespmem:s9], [sflag:$0x2], $0x800, $0x38;
	[tilespmem:$0x4800] =	vst v63  }
0x106: {  	_ =	swait.ge [sflag:s3], $0x800  }
0x107: {  	[sflag:s3] =	ssyncset.done $0x0  }
0x108: {  	s1 =	rddreg [dreg:$0xc];
	[sflag:s3] =	ssyncadd.s32 $0xFFFFF800  }
0x109: {  	[hbm4b:s1+s2] =	stream.linear.scatter [tilespmem:s7], [sflag:$0x2], $0x800, $0x38;
	[tilespmem:$0x4800] =	vst v63  }
0x10a: {  	_ =	swait.ge [sflag:s3], $0x800  }
0x10b: {  	[sflag:s3] =	ssyncset.done $0x0  }
0x10c: {  	s1 =	rddreg [dreg:$0xd];
	[sflag:s3] =	ssyncadd.s32 $0xFFFFF800  }
0x10d: {  	[hbm4b:s1+s2] =	stream.linear.scatter [tilespmem:s8], [sflag:$0x2], $0x800, $0x38;
	[tilespmem:$0x4800] =	vst v63  }
0x10e: {  	_ =	swait.ge [sflag:s3], $0x800  }
0x10f: {  	[sflag:s3] =	ssyncset.done $0x0  }
0x110: {  	s1 =	rddreg [dreg:$0xe];
	[sflag:s3] =	ssyncadd.s32 $0xFFFFF800  }
0x111: {  	[hbm4b:s1+s2] =	stream.linear.scatter [tilespmem:s6], [sflag:$0x2], $0x800, $0x38;
	[tilespmem:$0x4800] =	vst v63  }
0x112: {  	_ =	swait.ge [sflag:s3], $0x800  }
0x113: {  	[sflag:s3] =	ssyncset.done $0x0  }
0x114: {  	s1 =	rddreg [dreg:$0xf];
	[sflag:s3] =	ssyncadd.s32 $0xFFFFF800  }
0x115: {  	[hbm4b:s1+s2] =	stream.linear.scatter [tilespmem:s5], [sflag:$0x2], $0x200, $0x38;
	[tilespmem:$0x4800] =	vst v63  }
0x116: {  	p1 =	sne.s32 s0, $0x1;
	_ =	swait.ge [sflag:s3], $0x200  }
.Ltmp2:
0x117: {  	[sflag:s3] =	ssyncset.done $0x0;
	(pc) =	sbr.rel @p1 .LBB2_2-.Ltmp2, $4  }
0x118: {  	s1 =	rddreg [dreg:$0x10];
	[sflag:s3] =	ssyncadd.s32 $0xFFFFFE00  }
0x119: {  	[hbm4b:s1+s2] =	stream.linear.scatter [tilespmem:s4], [sflag:$0x2], $0x200, $0x38;
	[tilespmem:$0x4800] =	vst v63  }
0x11a: {  	_ =	swait.ge [sflag:s3], $0x200  }
0x11b: {  	s0 =	sadd.s32 $0xFFFFFFFF, s0;
	s1 =	rddreg [dreg:$0x5];
	[sflag:s3] =	ssyncset.done $0x0  }
.LBB2_3:
0x11c: {  	[sflag:s3] =	ssyncadd.s32 @p0 $0xFFFFFE00  }
0x11d: {  	[tilespmem:s2], [sflag:$0x2] =	stream.linear.gather [hbm4b:s1+s2], $0x200, $0x38;
	[tilespmem:$0x4800] =	vst v63  }
0x11e: {  	_ =	swait.ge [sflag:s3], $0x200  }
0x11f: {  	[sflag:s3] =	ssyncset.done $0x0  }
0x120: {  	s0 =	rddreg [dreg:$0x6];
	[sflag:s3] =	ssyncadd.s32 $0xFFFFFE00  }
0x121: {  	[tilespmem:s20], [sflag:$0x2] =	stream.linear.gather [hbm4b:s0+s2], $0x200, $0x38;
	[tilespmem:$0x4800] =	vst v63  }
0x122: {  	_ =	swait.ge [sflag:s3], $0x200  }
0x123: {  	[sflag:s3] =	ssyncset.done $0x0  }
0x124: {  	[sflag:s3] =	ssyncadd.s32 $0xFFFFFE00  }
0x125: {  	[tilespmem:s13], [sflag:$0x1] =	stream.indirect.gather [hbm4b:s14+s19], $0x10, s2, s19, $0xb8;
	[tilespmem:$0x4800] =	vst v63  }
0x126: {  	_ = 	snop  }
0x127: {  	[tilespmem:s12], [sflag:$0x1] =	stream.indirect.gather [hbm4b:s15+s19], $0x10, s20, s19, $0xb8;
	[tilespmem:$0x4800] =	vst v63  }
0x128: {  	_ = 	snop  }
0x129: {  	[tilespmem:s5], [sflag:$0x1] =	stream.indirect.gather [hbm4b:s17+s19], $0x1, s2, s19, $0xb8;
	[tilespmem:$0x4800] =	vst v63  }
0x12a: {  	_ = 	snop  }
0x12b: {  	[tilespmem:s4], [sflag:$0x1] =	stream.indirect.gather [hbm4b:s18+s19], $0x1, s20, s19, $0xb8;
	[tilespmem:$0x4800] =	vst v63  }
0x12c: {  	_ = 	snop  }
0x12d: {  	[tilespmem:s11], [sflag:$0x1] =	stream.indirect.gather [hbm4b:s14+s19], $0x10, s19, s19, $0xb8;
	[tilespmem:$0x4800] =	vst v63  }
0x12e: {  	_ = 	snop  }
0x12f: {  	[tilespmem:s10], [sflag:$0x1] =	stream.indirect.gather [hbm4b:s15+s19], $0x10, s21, s19, $0xb8;
	[tilespmem:$0x4800] =	vst v63  }
0x130: {  	s1 =	rddreg [dreg:$0x11]  }
0x131: {  	[tilespmem:s1], [sflag:$0x1] =	stream.indirect.gather [hbm4b:s17+s19], $0x1, s19, s19, $0xb8;
	[tilespmem:$0x4800] =	vst v63  }
0x132: {  	_ = 	snop  }
0x133: {  	[tilespmem:s24], [sflag:$0x1] =	stream.indirect.gather [hbm4b:s18+s19], $0x1, s21, s19, $0xb8;
	[tilespmem:$0x4800] =	vst v63  }
0x134: {  	_ = 	snop  }
0x135: {  	[tilespmem:s9], [sflag:$0x1] =	stream.indirect.gather [hbm4b:s14+s19], $0x10, s22, s19, $0xb8;
	[tilespmem:$0x4800] =	vst v63  }
0x136: {  	_ = 	snop  }
0x137: {  	[tilespmem:s7], [sflag:$0x1] =	stream.indirect.gather [hbm4b:s15+s19], $0x10, s23, s19, $0xb8;
	[tilespmem:$0x4800] =	vst v63  }
0x138: {  	_ = 	snop  }
0x139: {  	[tilespmem:s26], [sflag:$0x1] =	stream.indirect.gather [hbm4b:s17+s19], $0x1, s22, s19, $0xb8;
	[tilespmem:$0x4800] =	vst v63  }
0x13a: {  	_ = 	snop  }
0x13b: {  	[tilespmem:s28], [sflag:$0x1] =	stream.indirect.gather [hbm4b:s18+s19], $0x1, s23, s19, $0xb8;
	[tilespmem:$0x4800] =	vst v63  }
0x13c: {  	_ = 	snop  }
0x13d: {  	[tilespmem:s8], [sflag:$0x1] =	stream.indirect.gather [hbm4b:s14+s19], $0x10, s25, s19, $0xb8;
	[tilespmem:$0x4800] =	vst v63  }
0x13e: {  	_ = 	snop  }
0x13f: {  	[tilespmem:s6], [sflag:$0x1] =	stream.indirect.gather [hbm4b:s15+s19], $0x10, s29, s19, $0xb8;
	[tilespmem:$0x4800] =	vst v63  }
0x140: {  	_ = 	snop  }
0x141: {  	[tilespmem:s30], [sflag:$0x1] =	stream.indirect.gather [hbm4b:s17+s19], $0x1, s25, s19, $0xb8;
	[tilespmem:$0x4800] =	vst v63  }
0x142: {  	_ = 	snop  }
0x143: {  	[tilespmem:s31], [sflag:$0x1] =	stream.indirect.gather [hbm4b:s18+s19], $0x1, s29, s19, $0xb8;
	[tilespmem:$0x4800] =	vst v63  }
0x144: {  	_ =	swait.ge [sflag:s16], $0x800  }
0x145: {  	[sflag:s16] =	ssyncset.done $0x0  }
0x146: {  	[sflag:s16] =	ssyncadd.s32 $0xFFFFF800  }
0x147: {  	_ =	swait.ge [sflag:s16], $0x800  }
0x148: {  	[sflag:s16] =	ssyncset.done $0x0  }
0x149: {  	[sflag:s16] =	ssyncadd.s32 $0xFFFFF800  }
0x14a: {  	_ =	swait.ge [sflag:s16], $0x80  }
0x14b: {  	[sflag:s16] =	ssyncset.done $0x0  }
0x14c: {  	[sflag:s16] =	ssyncadd.s32 $0xFFFFFF80  }
0x14d: {  	_ =	swait.ge [sflag:s16], $0x80  }
0x14e: {  	[sflag:s16] =	ssyncset.done $0x0  }
0x14f: {  	[sflag:s16] =	ssyncadd.s32 $0xFFFFFF80  }
0x150: {  	_ =	swait.ge [sflag:s16], $0x800  }
0x151: {  	[sflag:s16] =	ssyncset.done $0x0  }
0x152: {  	[sflag:s16] =	ssyncadd.s32 $0xFFFFF800  }
0x153: {  	_ =	swait.ge [sflag:s16], $0x800  }
0x154: {  	[sflag:s16] =	ssyncset.done $0x0  }
0x155: {  	[sflag:s16] =	ssyncadd.s32 $0xFFFFF800  }
0x156: {  	_ =	swait.ge [sflag:s16], $0x80  }
0x157: {  	[sflag:s16] =	ssyncset.done $0x0  }
0x158: {  	[sflag:s16] =	ssyncadd.s32 $0xFFFFFF80  }
0x159: {  	_ =	swait.ge [sflag:s16], $0x80  }
0x15a: {  	[sflag:s16] =	ssyncset.done $0x0  }
0x15b: {  	[sflag:s16] =	ssyncadd.s32 $0xFFFFFF80  }
0x15c: {  	_ =	swait.ge [sflag:s16], $0x800  }
0x15d: {  	[sflag:s16] =	ssyncset.done $0x0  }
0x15e: {  	[sflag:s16] =	ssyncadd.s32 $0xFFFFF800  }
0x15f: {  	_ =	swait.ge [sflag:s16], $0x800  }
0x160: {  	[sflag:s16] =	ssyncset.done $0x0  }
0x161: {  	[sflag:s16] =	ssyncadd.s32 $0xFFFFF800  }
0x162: {  	_ =	swait.ge [sflag:s16], $0x80  }
0x163: {  	[sflag:s16] =	ssyncset.done $0x0  }
0x164: {  	[sflag:s16] =	ssyncadd.s32 $0xFFFFFF80  }
0x165: {  	_ =	swait.ge [sflag:s16], $0x80  }
0x166: {  	[sflag:s16] =	ssyncset.done $0x0  }
0x167: {  	[sflag:s16] =	ssyncadd.s32 $0xFFFFFF80  }
0x168: {  	_ =	swait.ge [sflag:s16], $0x800  }
0x169: {  	[sflag:s16] =	ssyncset.done $0x0  }
0x16a: {  	[sflag:s16] =	ssyncadd.s32 $0xFFFFF800  }
0x16b: {  	_ =	swait.ge [sflag:s16], $0x800  }
0x16c: {  	[sflag:s16] =	ssyncset.done $0x0  }
0x16d: {  	[sflag:s16] =	ssyncadd.s32 $0xFFFFF800  }
0x16e: {  	_ =	swait.ge [sflag:s16], $0x80  }
0x16f: {  	[sflag:s16] =	ssyncset.done $0x0  }
0x170: {  	[sflag:s16] =	ssyncadd.s32 $0xFFFFFF80  }
0x171: {  	_ =	swait.ge [sflag:s16], $0x80  }
0x172: {  	[sflag:s16] =	ssyncset.done $0x0  }
0x173: {  	s20 =	rddreg [dreg:$0x7];
	[sflag:s16] =	ssyncadd.s32 $0xFFFFFF80  }
0x174: {  	[hbm4b:s20+s2] =	stream.linear.scatter [tilespmem:s13], [sflag:$0x2], $0x800, $0x38;
	[tilespmem:$0x4800] =	vst v63  }
0x175: {  	_ =	swait.ge [sflag:s3], $0x800  }
0x176: {  	[sflag:s3] =	ssyncset.done $0x0  }
0x177: {  	s21 =	rddreg [dreg:$0x8];
	[sflag:s3] =	ssyncadd.s32 $0xFFFFF800  }
0x178: {  	[hbm4b:s21+s2] =	stream.linear.scatter [tilespmem:s12], [sflag:$0x2], $0x800, $0x38;
	[tilespmem:$0x4800] =	vst v63  }
0x179: {  	_ =	swait.ge [sflag:s3], $0x800  }
0x17a: {  	[sflag:s3] =	ssyncset.done $0x0  }
0x17b: {  	s22 =	rddreg [dreg:$0x9];
	[sflag:s3] =	ssyncadd.s32 $0xFFFFF800  }
0x17c: {  	[hbm4b:s22+s2] =	stream.linear.scatter [tilespmem:s11], [sflag:$0x2], $0x800, $0x38;
	[tilespmem:$0x4800] =	vst v63  }
0x17d: {  	_ =	swait.ge [sflag:s3], $0x800  }
0x17e: {  	[sflag:s3] =	ssyncset.done $0x0  }
0x17f: {  	s23 =	rddreg [dreg:$0xa];
	[sflag:s3] =	ssyncadd.s32 $0xFFFFF800  }
0x180: {  	[hbm4b:s23+s2] =	stream.linear.scatter [tilespmem:s10], [sflag:$0x2], $0x800, $0x38;
	[tilespmem:$0x4800] =	vst v63  }
0x181: {  	_ =	swait.ge [sflag:s3], $0x800  }
0x182: {  	[sflag:s3] =	ssyncset.done $0x0  }
0x183: {  	s24 =	rddreg [dreg:$0xb];
	[sflag:s3] =	ssyncadd.s32 $0xFFFFF800  }
0x184: {  	[hbm4b:s24+s2] =	stream.linear.scatter [tilespmem:s9], [sflag:$0x2], $0x800, $0x38;
	[tilespmem:$0x4800] =	vst v63  }
0x185: {  	_ =	swait.ge [sflag:s3], $0x800  }
0x186: {  	[sflag:s3] =	ssyncset.done $0x0  }
0x187: {  	s25 =	rddreg [dreg:$0xc];
	[sflag:s3] =	ssyncadd.s32 $0xFFFFF800  }
0x188: {  	[hbm4b:s25+s2] =	stream.linear.scatter [tilespmem:s7], [sflag:$0x2], $0x800, $0x38;
	[tilespmem:$0x4800] =	vst v63  }
0x189: {  	_ =	swait.ge [sflag:s3], $0x800  }
0x18a: {  	[sflag:s3] =	ssyncset.done $0x0  }
0x18b: {  	s26 =	rddreg [dreg:$0xd];
	[sflag:s3] =	ssyncadd.s32 $0xFFFFF800  }
0x18c: {  	[hbm4b:s26+s2] =	stream.linear.scatter [tilespmem:s8], [sflag:$0x2], $0x800, $0x38;
	[tilespmem:$0x4800] =	vst v63  }
0x18d: {  	_ =	swait.ge [sflag:s3], $0x800  }
0x18e: {  	[sflag:s3] =	ssyncset.done $0x0  }
0x18f: {  	s28 =	rddreg [dreg:$0xe];
	[sflag:s3] =	ssyncadd.s32 $0xFFFFF800  }
0x190: {  	[hbm4b:s28+s2] =	stream.linear.scatter [tilespmem:s6], [sflag:$0x2], $0x800, $0x38;
	[tilespmem:$0x4800] =	vst v63  }
0x191: {  	_ =	swait.ge [sflag:s3], $0x800  }
0x192: {  	[sflag:s3] =	ssyncset.done $0x0  }
0x193: {  	s29 =	rddreg [dreg:$0xf];
	[sflag:s3] =	ssyncadd.s32 $0xFFFFF800  }
0x194: {  	[hbm4b:s29+s2] =	stream.linear.scatter [tilespmem:s5], [sflag:$0x2], $0x200, $0x38;
	[tilespmem:$0x4800] =	vst v63  }
0x195: {  	_ =	swait.ge [sflag:s3], $0x200  }
0x196: {  	[sflag:s3] =	ssyncset.done $0x0  }
0x197: {  	s30 =	rddreg [dreg:$0x10];
	[sflag:s3] =	ssyncadd.s32 $0xFFFFFE00  }
0x198: {  	[hbm4b:s30+s2] =	stream.linear.scatter [tilespmem:s4], [sflag:$0x2], $0x200, $0x38;
	[tilespmem:$0x4800] =	vst v63  }
0x199: {  	_ =	swait.ge [sflag:s3], $0x200  }
0x19a: {  	[sflag:s3] =	ssyncset.done $0x0  }
0x19b: {  	[sflag:s3] =	ssyncadd.s32 $0xFFFFFE00  }
0x19c: {  	_ =	sfence.sel $0x180000  }
0x19d: {  	[bflag:$0x0] =	sbarrier.arrive $0xFFFF  }
0x19e: {  	_ =	strace $0x90000047  }
0x19f: {  	s31 =	stileid.u32;
	[bflag:$0x2] =	sbarrier.arrive $0xFFFF  }
0x1a0: {  	p0 =	sne.s32 s31, $0x0;
	s0 =	rddreg [dreg:$0x4]  }
0x1a1: {  	s0 =	sadd.s32 @!p0 $0x100000, s0  }
0x1a2: {  	[sflag:s0] =	ssyncadd.tile.s32 @!p0 $0x1;
	_ =	shalt  }
.Lfunc_end2:
_tile_overlayer_lowered:
.L_overlay_start_2:
0x1a3: {  	(tag) =	ssettag $0x2  }
0x1a4: {  	s0 =	rddreg [dreg:$0x0];
	s2 =	stileid.u32  }
0x1a5: {  	s1 =	rddreg [dreg:$0x1];
	p0 =	sne.s32 s2, $0x0  }
0x1a6: {  	s3 =	rddreg [dreg:$0x2];
	[bflag:$0x3] =	sbarrier.arrive $0xFFFF;
	s2 =	simm.s32 @!p0 $0x1C02  }
0x1a7: {  	[timem:s3], [sflag:s2] =	dma.local @!p0 [hbm:s0], s1  }
0x1a8: {  	s0 =	simm.s32 @!p0 $0x2  }
0x1a9: {  	_ =	swait.ge @!p0 [sflag:s0], s1  }
0x1aa: {  	s1 =	ssub.s32 @!p0 $0x0, s1;
	[sflag:s0] =	ssyncset.done @!p0 $0x0  }
0x1ab: {  	[sflag:s0] =	ssyncadd.s32 @!p0 s1  }
0x1ac: {  	[bflag:$0x3] =	sbarrier.arrive $0xFFFF  }
0x1ad: {  	_ =	shalt  }

</sc_bundles>
